<compile_context>
chip_gen: v7x
topology: tpu7x:2x2x1
jax: 0.10.2.dev20260603
libtpu: 0.0.44.dev20260713+nightly
codegen_flags: <defaults>
</compile_context>

<pallas_src>
import functools
import math

import jax
import jax.numpy as jnp
from jax import lax
from jax.experimental import pallas as pl
from jax.experimental.pallas import tpu as pltpu
from jax.experimental.pallas import tpu_sc as plsc

_NW = 32
_L = 16
_TC = 128
_CH = 256


def _gather_body(n_ch, d, scale, idx_hbm, tab_hbm, out_hbm, idx_v, rbuf,
                 qbuf, gsem0, gsem1, osem0, osem1):
  c = lax.axis_index("c")
  s = lax.axis_index("s")
  wid = s * 2 + c

  pltpu.sync_copy(idx_hbm.at[wid], idx_v)

  rbufs = (rbuf.at[0], rbuf.at[1])
  qbufs = (qbuf.at[0], qbuf.at[1])
  gsems = (gsem0, gsem1)
  osems = (osem0, osem1)

  iota = lax.iota(jnp.int32, _L)
  zeros = jnp.full((_L,), 0, jnp.int32)

  def start_gather(g, k):
    pltpu.async_copy(tab_hbm.at[idx_v.at[g]], rbufs[k], gsems[k])

  def wait_gather(g, k):
    pltpu.make_async_copy(tab_hbm.at[idx_v.at[g]], rbufs[k], gsems[k]).wait()

  def out_ref(g):
    return out_hbm.at[pl.ds(2 * g, 2), :, wid]

  def qview(k):
    return qbufs[k].at[:, :, :, pl.ds(0, _TC)]

  def start_out(g, k):
    pltpu.async_copy(qview(k), out_ref(g), osems[k])

  def wait_out(g, k):
    pltpu.make_async_copy(qview(k), out_ref(g), osems[k]).wait()

  e_specs = [(e0, (e0 + iota) // 8, (e0 + iota) % 8)
             for e0 in range(0, d, _L)]

  def transpose_chunk(k):
    src = rbufs[k]
    dst = qbufs[k]

    def j_body(j, carry):
      for half in range(2):
        h_vec = zeros + half
        j_vec = zeros + j
        for e0, et_vec, ei_vec in e_specs:
          vals = src[half * _TC + j, pl.ds(e0, _L)]
          plsc.store_scatter(dst, [h_vec, et_vec, ei_vec, j_vec],
                             vals * scale)
      return carry

    lax.fori_loop(0, _TC, j_body, 0, unroll=2)

  start_gather(0, 0)

  @pl.loop(0, n_ch, step=2)
  def _(gg):
    for k in range(2):
      g = gg + k
      nk = 1 - k
      if k == 0:
        @pl.when(gg > 0)
        def _():
          wait_out(g - 1, nk)

        start_gather(g + 1, nk)
      else:
        @pl.when(g + 1 < n_ch)
        def _():
          wait_out(g - 1, nk)
          start_gather(g + 1, nk)

      wait_gather(g, k)
      transpose_chunk(k)
      start_out(g, k)

  wait_out(n_ch - 2, 0)
  wait_out(n_ch - 1, 1)


def kernel(x, table):
  b, n_s = x.shape
  v, d = table.shape
  assert b % _TC == 0 and b // _TC == _NW and d % _L == 0
  assert (n_s * _TC) % _CH == 0
  scale = math.sqrt(d)
  n_ch = n_s * _TC // _CH
  assert n_ch % 2 == 0

  mesh = plsc.VectorSubcoreMesh(core_axis_name="c", subcore_axis_name="s")

  idx3 = (jnp.transpose(x).reshape(n_s, _NW, _TC).transpose(1, 0, 2)
          .reshape(_NW, n_ch, _CH).astype(jnp.int32))
  gather = pl.kernel(
      functools.partial(_gather_body, n_ch, d, scale),
      mesh=mesh,
      out_type=jax.ShapeDtypeStruct((n_s, d // 8, _NW, 8, _TC), jnp.float32),
      compiler_params=pltpu.CompilerParams(use_tc_tiling_on_sc=False,
                                           needs_layout_passes=False),
      scratch_types=[
          pltpu.VMEM((n_ch, _CH), jnp.int32),
          pltpu.VMEM((2, _CH, d), jnp.float32),
          pltpu.VMEM((2, 2, d // 8, 8, _TC + 1), jnp.float32),
          pltpu.SemaphoreType.DMA,
          pltpu.SemaphoreType.DMA,
          pltpu.SemaphoreType.DMA,
          pltpu.SemaphoreType.DMA,
      ],
  )
  q5 = gather(idx3, table)

  return jnp.transpose(q5, (2, 4, 0, 1, 3)).reshape(b, n_s, d)

# --- scband reference (transcript-rebuilt; emitter-appended) ---
"""Pipeline reference for scband-embeddings-34273839022322 (READ-ONLY COPY).

The authoritative reference and input builder live on the scoring server;
editing this copy changes nothing except your own understanding.
"""

import math
import jax, jax.numpy as jnp
import numpy as np

VOCAB = 1000000
EMBED = 64

def setup_inputs(seed: int = 0) -> dict:
    key = jax.random.key(seed)
    k_idx, k_tab = jax.random.split(key)
    x = jax.random.randint(k_idx, (4096, 200), 0, VOCAB, dtype=jnp.int64 if jax.config.jax_enable_x64 else jnp.int32)
    table = jax.random.normal(k_tab, (VOCAB, EMBED), dtype=jnp.float32)
    return {"x": x, "table": table}

def reference(x, table):
    # Embeddings.forward: self.embeddings(x) * sqrt(embedding_size)
    emb = jnp.take(table, x, axis=0)
    return emb * math.sqrt(EMBED)

if __name__ == "__main__":
    import jax
    _d = setup_inputs()
    print(jax.jit(kernel)(*tuple(_d.values())))

</pallas_src>

<mosaic_0001>
#map = affine_map<(d0, d1) -> (0, 0, 0)>
#map1 = affine_map<(d0, d1) -> (0, 0)>
#map2 = affine_map<(d0, d1) -> (0, 0, 0, 0, 0)>
module attributes {stable_mosaic.version = 14 : i64} {
  func.func @_gather_body(%arg0: i32, %arg1: i32, %arg2: memref<32x100x256xi32, #tpu.memory_space<hbm>>, %arg3: memref<1000000x64xf32, #tpu.memory_space<hbm>>, %arg4: memref<200x8x32x8x128xf32, #tpu.memory_space<hbm>>, %arg5: memref<100x256xi32, #tpu.memory_space<vmem>>, %arg6: memref<2x256x64xf32, #tpu.memory_space<vmem>>, %arg7: memref<2x2x8x8x129xf32, #tpu.memory_space<vmem>>, %arg8: memref<!tpu.dma_semaphore, #tpu.memory_space<semaphore_mem>>, %arg9: memref<!tpu.dma_semaphore, #tpu.memory_space<semaphore_mem>>, %arg10: memref<!tpu.dma_semaphore, #tpu.memory_space<semaphore_mem>>, %arg11: memref<!tpu.dma_semaphore, #tpu.memory_space<semaphore_mem>>) attributes {dimension_semantics = [#tpu.dimension_semantics<core_parallel>, #tpu.dimension_semantics<subcore_parallel>], iteration_bounds = array<i64: 2, 16>, scalar_prefetch = 0 : i64, scratch_operands = 7 : i64, tpu.core_type = #tpu.core_type<sc_vector_subcore>, window_params = [{transform_indices = #map}, {transform_indices = #map1}, {transform_indices = #map2}]} {
    %mul3A = arith.constant 2 : i32
    %mul3A_0 = arith.muli %arg1, %mul3A : i32
    %add3A = arith.addi %mul3A_0, %arg0 : i32
    "tpu.region"() ({
      %run_scoped3A = tpu.sem_alloc : memref<!tpu.dma_semaphore, #tpu.memory_space<semaphore_mem>>
      %dma_start3A_316 = arith.constant 0 : i32
      %dma_start3A_317 = arith.constant 0 : i32
      %dma_start3A_318 = tpu.memref_slice %arg2[%add3A, %dma_start3A_316, %dma_start3A_317] : memref<32x100x256xi32, #tpu.memory_space<hbm>> -> memref<1x100x256xi32, #tpu.memory_space<hbm>>
      %dma_start3A_319 = tpu.memref_squeeze %dma_start3A_318 : memref<1x100x256xi32, #tpu.memory_space<hbm>> -> memref<100x256xi32, #tpu.memory_space<hbm>>
      %dma_start3A_320 = arith.constant 0 : i32
      %dma_start3A_321 = arith.constant 0 : i32
      %dma_start3A_322 = tpu.memref_slice %arg2[%add3A, %dma_start3A_320, %dma_start3A_321] : memref<32x100x256xi32, #tpu.memory_space<hbm>> -> memref<1x100x256xi32, #tpu.memory_space<hbm>>
      %dma_start3A_323 = tpu.memref_squeeze %dma_start3A_322 : memref<1x100x256xi32, #tpu.memory_space<hbm>> -> memref<100x256xi32, #tpu.memory_space<hbm>>
      tpu.enqueue_dma source(%dma_start3A_323 : memref<100x256xi32, #tpu.memory_space<hbm>>) target(%arg5 : memref<100x256xi32, #tpu.memory_space<vmem>>) target_semaphore(%run_scoped3A : memref<!tpu.dma_semaphore, #tpu.memory_space<semaphore_mem>>)
      %dma_wait3A_324 = arith.constant 0 : i32
      %dma_wait3A_325 = arith.constant 0 : i32
      %dma_wait3A_326 = tpu.memref_slice %arg2[%add3A, %dma_wait3A_324, %dma_wait3A_325] : memref<32x100x256xi32, #tpu.memory_space<hbm>> -> memref<1x100x256xi32, #tpu.memory_space<hbm>>
      %dma_wait3A_327 = tpu.memref_squeeze %dma_wait3A_326 : memref<1x100x256xi32, #tpu.memory_space<hbm>> -> memref<100x256xi32, #tpu.memory_space<hbm>>
      %dma_wait3A_328 = arith.constant 0 : i32
      %dma_wait3A_329 = arith.constant 0 : i32
      %dma_wait3A_330 = tpu.memref_slice %arg2[%add3A, %dma_wait3A_328, %dma_wait3A_329] : memref<32x100x256xi32, #tpu.memory_space<hbm>> -> memref<1x100x256xi32, #tpu.memory_space<hbm>>
      %dma_wait3A_331 = tpu.memref_squeeze %dma_wait3A_330 : memref<1x100x256xi32, #tpu.memory_space<hbm>> -> memref<100x256xi32, #tpu.memory_space<hbm>>
      tpu.wait_dma2 semaphore(%run_scoped3A : memref<!tpu.dma_semaphore, #tpu.memory_space<semaphore_mem>>) src(%dma_wait3A_331 : memref<100x256xi32, #tpu.memory_space<hbm>>) dst(%arg5 : memref<100x256xi32, #tpu.memory_space<vmem>>)
      tpu.yield
    }) : () -> ()
    %iota3A = tpu.iota {dimensions = array<i32: 0>} : vector<16xi32>
    %broadcast_in_dim3A = arith.constant 0 : i32
    %broadcast_in_dim3A_1 = vector.broadcast %broadcast_in_dim3A : i32 to vector<16xi32>
    %add3A_2 = arith.constant 0 : i32
    %add3A_3 = vector.broadcast %add3A_2 : i32 to vector<16xi32>
    %add3A_4 = arith.addi %add3A_3, %iota3A : vector<16xi32>
    %jit3A = arith.constant 8 : i32
    %div3A = vector.broadcast %jit3A : i32 to vector<16xi32>
    %div3A_5 = arith.divsi %add3A_4, %div3A : vector<16xi32>
    %sign3A = arith.constant 0 : i32
    %sign3A_6 = vector.broadcast %sign3A : i32 to vector<16xi32>
    %sign3A_7 = arith.cmpi sgt, %add3A_4, %sign3A_6 : vector<16xi32>
    %sign3A_8 = arith.extui %sign3A_7 : vector<16xi1> to vector<16xi32>
    %sign3A_9 = arith.constant 0 : i32
    %sign3A_10 = vector.broadcast %sign3A_9 : i32 to vector<16xi32>
    %sign3A_11 = arith.cmpi slt, %add3A_4, %sign3A_10 : vector<16xi32>
    %sign3A_12 = arith.extui %sign3A_11 : vector<16xi1> to vector<16xi32>
    %sign3A_13 = arith.subi %sign3A_8, %sign3A_12 : vector<16xi32>
    %sign3A_14 = arith.constant 0 : i32
    %sign3A_15 = arith.cmpi sgt, %jit3A, %sign3A_14 : i32
    %sign3A_16 = arith.extui %sign3A_15 : i1 to i32
    %sign3A_17 = arith.constant 0 : i32
    %sign3A_18 = arith.cmpi slt, %jit3A, %sign3A_17 : i32
    %sign3A_19 = arith.extui %sign3A_18 : i1 to i32
    %sign3A_20 = arith.subi %sign3A_16, %sign3A_19 : i32
    %ne3A = vector.broadcast %sign3A_20 : i32 to vector<16xi32>
    %ne3A_21 = arith.cmpi ne, %sign3A_13, %ne3A : vector<16xi32>
    %rem3A = vector.broadcast %jit3A : i32 to vector<16xi32>
    %rem3A_22 = arith.remsi %add3A_4, %rem3A : vector<16xi32>
    %ne3A_23 = arith.constant 0 : i32
    %ne3A_24 = vector.broadcast %ne3A_23 : i32 to vector<16xi32>
    %ne3A_25 = arith.cmpi ne, %rem3A_22, %ne3A_24 : vector<16xi32>
    %and3A = arith.andi %ne3A_21, %ne3A_25 : vector<16xi1>
    %sub3A = arith.constant 1 : i32
    %sub3A_26 = vector.broadcast %sub3A : i32 to vector<16xi32>
    %sub3A_27 = arith.subi %div3A_5, %sub3A_26 : vector<16xi32>
    %select_n3A = arith.select %and3A, %sub3A_27, %div3A_5 : vector<16xi1>, vector<16xi32>
    %add3A_28 = arith.constant 0 : i32
    %add3A_29 = vector.broadcast %add3A_28 : i32 to vector<16xi32>
    %add3A_30 = arith.addi %add3A_29, %iota3A : vector<16xi32>
    %jit3A_31 = arith.constant 8 : i32
    %eq3A = arith.constant 0 : i32
    %eq3A_32 = arith.cmpi eq, %jit3A_31, %eq3A : i32
    %jit3A_33 = arith.constant 1 : i32
    %select_n3A_34 = arith.select %eq3A_32, %jit3A_33, %jit3A_31 : i32
    %rem3A_35 = vector.broadcast %select_n3A_34 : i32 to vector<16xi32>
    %rem3A_36 = arith.remsi %add3A_30, %rem3A_35 : vector<16xi32>
    %ne3A_37 = arith.constant 0 : i32
    %ne3A_38 = vector.broadcast %ne3A_37 : i32 to vector<16xi32>
    %ne3A_39 = arith.cmpi ne, %rem3A_36, %ne3A_38 : vector<16xi32>
    %lt3A = arith.constant 0 : i32
    %lt3A_40 = vector.broadcast %lt3A : i32 to vector<16xi32>
    %lt3A_41 = arith.cmpi slt, %rem3A_36, %lt3A_40 : vector<16xi32>
    %lt3A_42 = arith.constant 0 : i32
    %lt3A_43 = arith.cmpi slt, %select_n3A_34, %lt3A_42 : i32
    %ne3A_44 = vector.broadcast %lt3A_43 : i1 to vector<16xi1>
    %ne3A_45 = vector.broadcast %ne3A_44 : vector<16xi1> to vector<16xi1>
    %ne3A_46 = arith.xori %lt3A_41, %ne3A_45 : vector<16xi1>
    %and3A_47 = arith.andi %ne3A_46, %ne3A_39 : vector<16xi1>
    %add3A_48 = vector.broadcast %select_n3A_34 : i32 to vector<16xi32>
    %add3A_49 = arith.addi %rem3A_36, %add3A_48 : vector<16xi32>
    %select_n3A_50 = arith.select %and3A_47, %add3A_49, %rem3A_36 : vector<16xi1>, vector<16xi32>
    %add3A_51 = arith.constant 16 : i32
    %add3A_52 = vector.broadcast %add3A_51 : i32 to vector<16xi32>
    %add3A_53 = arith.addi %add3A_52, %iota3A : vector<16xi32>
    %jit3A_54 = arith.constant 8 : i32
    %div3A_55 = vector.broadcast %jit3A_54 : i32 to vector<16xi32>
    %div3A_56 = arith.divsi %add3A_53, %div3A_55 : vector<16xi32>
    %sign3A_57 = arith.constant 0 : i32
    %sign3A_58 = vector.broadcast %sign3A_57 : i32 to vector<16xi32>
    %sign3A_59 = arith.cmpi sgt, %add3A_53, %sign3A_58 : vector<16xi32>
    %sign3A_60 = arith.extui %sign3A_59 : vector<16xi1> to vector<16xi32>
    %sign3A_61 = arith.constant 0 : i32
    %sign3A_62 = vector.broadcast %sign3A_61 : i32 to vector<16xi32>
    %sign3A_63 = arith.cmpi slt, %add3A_53, %sign3A_62 : vector<16xi32>
    %sign3A_64 = arith.extui %sign3A_63 : vector<16xi1> to vector<16xi32>
    %sign3A_65 = arith.subi %sign3A_60, %sign3A_64 : vector<16xi32>
    %sign3A_66 = arith.constant 0 : i32
    %sign3A_67 = arith.cmpi sgt, %jit3A_54, %sign3A_66 : i32
    %sign3A_68 = arith.extui %sign3A_67 : i1 to i32
    %sign3A_69 = arith.constant 0 : i32
    %sign3A_70 = arith.cmpi slt, %jit3A_54, %sign3A_69 : i32
    %sign3A_71 = arith.extui %sign3A_70 : i1 to i32
    %sign3A_72 = arith.subi %sign3A_68, %sign3A_71 : i32
    %ne3A_73 = vector.broadcast %sign3A_72 : i32 to vector<16xi32>
    %ne3A_74 = arith.cmpi ne, %sign3A_65, %ne3A_73 : vector<16xi32>
    %rem3A_75 = vector.broadcast %jit3A_54 : i32 to vector<16xi32>
    %rem3A_76 = arith.remsi %add3A_53, %rem3A_75 : vector<16xi32>
    %ne3A_77 = arith.constant 0 : i32
    %ne3A_78 = vector.broadcast %ne3A_77 : i32 to vector<16xi32>
    %ne3A_79 = arith.cmpi ne, %rem3A_76, %ne3A_78 : vector<16xi32>
    %and3A_80 = arith.andi %ne3A_74, %ne3A_79 : vector<16xi1>
    %sub3A_81 = arith.constant 1 : i32
    %sub3A_82 = vector.broadcast %sub3A_81 : i32 to vector<16xi32>
    %sub3A_83 = arith.subi %div3A_56, %sub3A_82 : vector<16xi32>
    %select_n3A_84 = arith.select %and3A_80, %sub3A_83, %div3A_56 : vector<16xi1>, vector<16xi32>
    %add3A_85 = arith.constant 16 : i32
    %add3A_86 = vector.broadcast %add3A_85 : i32 to vector<16xi32>
    %add3A_87 = arith.addi %add3A_86, %iota3A : vector<16xi32>
    %jit3A_88 = arith.constant 8 : i32
    %eq3A_89 = arith.constant 0 : i32
    %eq3A_90 = arith.cmpi eq, %jit3A_88, %eq3A_89 : i32
    %jit3A_91 = arith.constant 1 : i32
    %select_n3A_92 = arith.select %eq3A_90, %jit3A_91, %jit3A_88 : i32
    %rem3A_93 = vector.broadcast %select_n3A_92 : i32 to vector<16xi32>
    %rem3A_94 = arith.remsi %add3A_87, %rem3A_93 : vector<16xi32>
    %ne3A_95 = arith.constant 0 : i32
    %ne3A_96 = vector.broadcast %ne3A_95 : i32 to vector<16xi32>
    %ne3A_97 = arith.cmpi ne, %rem3A_94, %ne3A_96 : vector<16xi32>
    %lt3A_98 = arith.constant 0 : i32
    %lt3A_99 = vector.broadcast %lt3A_98 : i32 to vector<16xi32>
    %lt3A_100 = arith.cmpi slt, %rem3A_94, %lt3A_99 : vector<16xi32>
    %lt3A_101 = arith.constant 0 : i32
    %lt3A_102 = arith.cmpi slt, %select_n3A_92, %lt3A_101 : i32
    %ne3A_103 = vector.broadcast %lt3A_102 : i1 to vector<16xi1>
    %ne3A_104 = vector.broadcast %ne3A_103 : vector<16xi1> to vector<16xi1>
    %ne3A_105 = arith.xori %lt3A_100, %ne3A_104 : vector<16xi1>
    %and3A_106 = arith.andi %ne3A_105, %ne3A_97 : vector<16xi1>
    %add3A_107 = vector.broadcast %select_n3A_92 : i32 to vector<16xi32>
    %add3A_108 = arith.addi %rem3A_94, %add3A_107 : vector<16xi32>
    %select_n3A_109 = arith.select %and3A_106, %add3A_108, %rem3A_94 : vector<16xi1>, vector<16xi32>
    %add3A_110 = arith.constant 32 : i32
    %add3A_111 = vector.broadcast %add3A_110 : i32 to vector<16xi32>
    %add3A_112 = arith.addi %add3A_111, %iota3A : vector<16xi32>
    %jit3A_113 = arith.constant 8 : i32
    %div3A_114 = vector.broadcast %jit3A_113 : i32 to vector<16xi32>
    %div3A_115 = arith.divsi %add3A_112, %div3A_114 : vector<16xi32>
    %sign3A_116 = arith.constant 0 : i32
    %sign3A_117 = vector.broadcast %sign3A_116 : i32 to vector<16xi32>
    %sign3A_118 = arith.cmpi sgt, %add3A_112, %sign3A_117 : vector<16xi32>
    %sign3A_119 = arith.extui %sign3A_118 : vector<16xi1> to vector<16xi32>
    %sign3A_120 = arith.constant 0 : i32
    %sign3A_121 = vector.broadcast %sign3A_120 : i32 to vector<16xi32>
    %sign3A_122 = arith.cmpi slt, %add3A_112, %sign3A_121 : vector<16xi32>
    %sign3A_123 = arith.extui %sign3A_122 : vector<16xi1> to vector<16xi32>
    %sign3A_124 = arith.subi %sign3A_119, %sign3A_123 : vector<16xi32>
    %sign3A_125 = arith.constant 0 : i32
    %sign3A_126 = arith.cmpi sgt, %jit3A_113, %sign3A_125 : i32
    %sign3A_127 = arith.extui %sign3A_126 : i1 to i32
    %sign3A_128 = arith.constant 0 : i32
    %sign3A_129 = arith.cmpi slt, %jit3A_113, %sign3A_128 : i32
    %sign3A_130 = arith.extui %sign3A_129 : i1 to i32
    %sign3A_131 = arith.subi %sign3A_127, %sign3A_130 : i32
    %ne3A_132 = vector.broadcast %sign3A_131 : i32 to vector<16xi32>
    %ne3A_133 = arith.cmpi ne, %sign3A_124, %ne3A_132 : vector<16xi32>
    %rem3A_134 = vector.broadcast %jit3A_113 : i32 to vector<16xi32>
    %rem3A_135 = arith.remsi %add3A_112, %rem3A_134 : vector<16xi32>
    %ne3A_136 = arith.constant 0 : i32
    %ne3A_137 = vector.broadcast %ne3A_136 : i32 to vector<16xi32>
    %ne3A_138 = arith.cmpi ne, %rem3A_135, %ne3A_137 : vector<16xi32>
    %and3A_139 = arith.andi %ne3A_133, %ne3A_138 : vector<16xi1>
    %sub3A_140 = arith.constant 1 : i32
    %sub3A_141 = vector.broadcast %sub3A_140 : i32 to vector<16xi32>
    %sub3A_142 = arith.subi %div3A_115, %sub3A_141 : vector<16xi32>
    %select_n3A_143 = arith.select %and3A_139, %sub3A_142, %div3A_115 : vector<16xi1>, vector<16xi32>
    %add3A_144 = arith.constant 32 : i32
    %add3A_145 = vector.broadcast %add3A_144 : i32 to vector<16xi32>
    %add3A_146 = arith.addi %add3A_145, %iota3A : vector<16xi32>
    %jit3A_147 = arith.constant 8 : i32
    %eq3A_148 = arith.constant 0 : i32
    %eq3A_149 = arith.cmpi eq, %jit3A_147, %eq3A_148 : i32
    %jit3A_150 = arith.constant 1 : i32
    %select_n3A_151 = arith.select %eq3A_149, %jit3A_150, %jit3A_147 : i32
    %rem3A_152 = vector.broadcast %select_n3A_151 : i32 to vector<16xi32>
    %rem3A_153 = arith.remsi %add3A_146, %rem3A_152 : vector<16xi32>
    %ne3A_154 = arith.constant 0 : i32
    %ne3A_155 = vector.broadcast %ne3A_154 : i32 to vector<16xi32>
    %ne3A_156 = arith.cmpi ne, %rem3A_153, %ne3A_155 : vector<16xi32>
    %lt3A_157 = arith.constant 0 : i32
    %lt3A_158 = vector.broadcast %lt3A_157 : i32 to vector<16xi32>
    %lt3A_159 = arith.cmpi slt, %rem3A_153, %lt3A_158 : vector<16xi32>
    %lt3A_160 = arith.constant 0 : i32
    %lt3A_161 = arith.cmpi slt, %select_n3A_151, %lt3A_160 : i32
    %ne3A_162 = vector.broadcast %lt3A_161 : i1 to vector<16xi1>
    %ne3A_163 = vector.broadcast %ne3A_162 : vector<16xi1> to vector<16xi1>
    %ne3A_164 = arith.xori %lt3A_159, %ne3A_163 : vector<16xi1>
    %and3A_165 = arith.andi %ne3A_164, %ne3A_156 : vector<16xi1>
    %add3A_166 = vector.broadcast %select_n3A_151 : i32 to vector<16xi32>
    %add3A_167 = arith.addi %rem3A_153, %add3A_166 : vector<16xi32>
    %select_n3A_168 = arith.select %and3A_165, %add3A_167, %rem3A_153 : vector<16xi1>, vector<16xi32>
    %add3A_169 = arith.constant 48 : i32
    %add3A_170 = vector.broadcast %add3A_169 : i32 to vector<16xi32>
    %add3A_171 = arith.addi %add3A_170, %iota3A : vector<16xi32>
    %jit3A_172 = arith.constant 8 : i32
    %div3A_173 = vector.broadcast %jit3A_172 : i32 to vector<16xi32>
    %div3A_174 = arith.divsi %add3A_171, %div3A_173 : vector<16xi32>
    %sign3A_175 = arith.constant 0 : i32
    %sign3A_176 = vector.broadcast %sign3A_175 : i32 to vector<16xi32>
    %sign3A_177 = arith.cmpi sgt, %add3A_171, %sign3A_176 : vector<16xi32>
    %sign3A_178 = arith.extui %sign3A_177 : vector<16xi1> to vector<16xi32>
    %sign3A_179 = arith.constant 0 : i32
    %sign3A_180 = vector.broadcast %sign3A_179 : i32 to vector<16xi32>
    %sign3A_181 = arith.cmpi slt, %add3A_171, %sign3A_180 : vector<16xi32>
    %sign3A_182 = arith.extui %sign3A_181 : vector<16xi1> to vector<16xi32>
    %sign3A_183 = arith.subi %sign3A_178, %sign3A_182 : vector<16xi32>
    %sign3A_184 = arith.constant 0 : i32
    %sign3A_185 = arith.cmpi sgt, %jit3A_172, %sign3A_184 : i32
    %sign3A_186 = arith.extui %sign3A_185 : i1 to i32
    %sign3A_187 = arith.constant 0 : i32
    %sign3A_188 = arith.cmpi slt, %jit3A_172, %sign3A_187 : i32
    %sign3A_189 = arith.extui %sign3A_188 : i1 to i32
    %sign3A_190 = arith.subi %sign3A_186, %sign3A_189 : i32
    %ne3A_191 = vector.broadcast %sign3A_190 : i32 to vector<16xi32>
    %ne3A_192 = arith.cmpi ne, %sign3A_183, %ne3A_191 : vector<16xi32>
    %rem3A_193 = vector.broadcast %jit3A_172 : i32 to vector<16xi32>
    %rem3A_194 = arith.remsi %add3A_171, %rem3A_193 : vector<16xi32>
    %ne3A_195 = arith.constant 0 : i32
    %ne3A_196 = vector.broadcast %ne3A_195 : i32 to vector<16xi32>
    %ne3A_197 = arith.cmpi ne, %rem3A_194, %ne3A_196 : vector<16xi32>
    %and3A_198 = arith.andi %ne3A_192, %ne3A_197 : vector<16xi1>
    %sub3A_199 = arith.constant 1 : i32
    %sub3A_200 = vector.broadcast %sub3A_199 : i32 to vector<16xi32>
    %sub3A_201 = arith.subi %div3A_174, %sub3A_200 : vector<16xi32>
    %select_n3A_202 = arith.select %and3A_198, %sub3A_201, %div3A_174 : vector<16xi1>, vector<16xi32>
    %add3A_203 = arith.constant 48 : i32
    %add3A_204 = vector.broadcast %add3A_203 : i32 to vector<16xi32>
    %add3A_205 = arith.addi %add3A_204, %iota3A : vector<16xi32>
    %jit3A_206 = arith.constant 8 : i32
    %eq3A_207 = arith.constant 0 : i32
    %eq3A_208 = arith.cmpi eq, %jit3A_206, %eq3A_207 : i32
    %jit3A_209 = arith.constant 1 : i32
    %select_n3A_210 = arith.select %eq3A_208, %jit3A_209, %jit3A_206 : i32
    %rem3A_211 = vector.broadcast %select_n3A_210 : i32 to vector<16xi32>
    %rem3A_212 = arith.remsi %add3A_205, %rem3A_211 : vector<16xi32>
    %ne3A_213 = arith.constant 0 : i32
    %ne3A_214 = vector.broadcast %ne3A_213 : i32 to vector<16xi32>
    %ne3A_215 = arith.cmpi ne, %rem3A_212, %ne3A_214 : vector<16xi32>
    %lt3A_216 = arith.constant 0 : i32
    %lt3A_217 = vector.broadcast %lt3A_216 : i32 to vector<16xi32>
    %lt3A_218 = arith.cmpi slt, %rem3A_212, %lt3A_217 : vector<16xi32>
    %lt3A_219 = arith.constant 0 : i32
    %lt3A_220 = arith.cmpi slt, %select_n3A_210, %lt3A_219 : i32
    %ne3A_221 = vector.broadcast %lt3A_220 : i1 to vector<16xi1>
    %ne3A_222 = vector.broadcast %ne3A_221 : vector<16xi1> to vector<16xi1>
    %ne3A_223 = arith.xori %lt3A_218, %ne3A_222 : vector<16xi1>
    %and3A_224 = arith.andi %ne3A_223, %ne3A_215 : vector<16xi1>
    %add3A_225 = vector.broadcast %select_n3A_210 : i32 to vector<16xi32>
    %add3A_226 = arith.addi %rem3A_212, %add3A_225 : vector<16xi32>
    %select_n3A_227 = arith.select %and3A_224, %add3A_226, %rem3A_212 : vector<16xi1>, vector<16xi32>
    %dma_start3A = arith.constant 0 : i32
    %dma_start3A_228 = arith.constant 0 : i32
    %dma_start3A_229 = arith.constant 0 : i32
    %dma_start3A_230 = arith.constant 0 : i32
    %dma_start3A_231 = tpu.memref_slice %arg6[%dma_start3A_228, %dma_start3A_229, %dma_start3A_230] : memref<2x256x64xf32, #tpu.memory_space<vmem>> -> memref<1x256x64xf32, #tpu.memory_space<vmem>>
    %dma_start3A_232 = tpu.memref_squeeze %dma_start3A_231 : memref<1x256x64xf32, #tpu.memory_space<vmem>> -> memref<256x64xf32, #tpu.memory_space<vmem>>
    %dma_start3A_233 = arith.constant 0 : i32
    %dma_start3A_234 = tpu.memref_slice %arg5[%dma_start3A, %dma_start3A_233] : memref<100x256xi32, #tpu.memory_space<vmem>> -> memref<1x256xi32, #tpu.memory_space<vmem>>
    %dma_start3A_235 = tpu.memref_squeeze %dma_start3A_234 : memref<1x256xi32, #tpu.memory_space<vmem>> -> memref<256xi32, #tpu.memory_space<vmem>>
    %dma_start3A_236 = arith.constant 0 : i32
    %dma_start3A_237 = arith.constant 0 : i32
    %dma_start3A_238 = tpu.memref_slice %arg3[%dma_start3A_236, %dma_start3A_237] : memref<1000000x64xf32, #tpu.memory_space<hbm>> -> memref<1000000x64xf32, #tpu.memory_space<hbm>>
    tpu.enqueue_indirect_dma source(%dma_start3A_238 : memref<1000000x64xf32, #tpu.memory_space<hbm>>) target(%dma_start3A_232 : memref<256x64xf32, #tpu.memory_space<vmem>>) offsets(%dma_start3A_235 : memref<256xi32, #tpu.memory_space<vmem>>) semaphore(%arg8 : memref<!tpu.dma_semaphore, #tpu.memory_space<semaphore_mem>>)
    %scan3A = arith.constant 1 : i32
    %scan3A_239 = arith.constant 1 : i32
    %scan3A_240 = arith.constant 0 : i32
    %scan3A_241 = arith.constant 0 : i32
    %scan3A_242 = arith.constant 0 : i32
    %scan3A_243 = arith.constant 50 : i32
    %scan3A_244 = arith.addi %scan3A_242, %scan3A_243 : i32
    %scan3A_245 = arith.constant 1 : i32
    scf.for %scan3A_316 = %scan3A_242 to %scan3A_244 step %scan3A_245  : i32 {
      %mul3A_317 = arith.constant 2 : i32
      %mul3A_318 = arith.muli %scan3A_316, %mul3A_317 : i32
      %add3A_319 = arith.constant 0 : i32
      %add3A_320 = arith.addi %add3A_319, %mul3A_318 : i32
      %add3A_321 = arith.constant 0 : i32
      %add3A_322 = arith.addi %add3A_320, %add3A_321 : i32
      %gt3A = arith.constant 0 : i32
      %gt3A_323 = arith.cmpi sgt, %add3A_320, %gt3A : i32
      %convert_element_type3A = arith.extui %gt3A_323 : i1 to i32
      %cond3A = arith.constant 0 : i32
      %cond3A_324 = arith.cmpi ne, %convert_element_type3A, %cond3A : i32
      scf.if %cond3A_324 {
        %sub3A_446 = arith.constant 1 : i32
        %sub3A_447 = arith.subi %add3A_322, %sub3A_446 : i32
        %mul3A_448 = arith.constant 2 : i32
        %mul3A_449 = arith.muli %mul3A_448, %sub3A_447 : i32
        %dma_wait3A_450 = arith.constant 0 : i32
        %dma_wait3A_451 = arith.constant 0 : i32
        %dma_wait3A_452 = arith.constant 0 : i32
        %dma_wait3A_453 = arith.constant 0 : i32
        %dma_wait3A_454 = tpu.memref_slice %arg7[%scan3A, %dma_wait3A_450, %dma_wait3A_451, %dma_wait3A_452, %dma_wait3A_453] : memref<2x2x8x8x129xf32, #tpu.memory_space<vmem>> -> memref<1x2x8x8x129xf32, #tpu.memory_space<vmem>>
        %dma_wait3A_455 = tpu.memref_squeeze %dma_wait3A_454 : memref<1x2x8x8x129xf32, #tpu.memory_space<vmem>> -> memref<2x8x8x129xf32, #tpu.memory_space<vmem>>
        %dma_wait3A_456 = arith.constant 0 : i32
        %dma_wait3A_457 = arith.constant 0 : i32
        %dma_wait3A_458 = arith.constant 0 : i32
        %dma_wait3A_459 = arith.constant 0 : i32
        %dma_wait3A_460 = tpu.memref_slice %dma_wait3A_455[%dma_wait3A_456, %dma_wait3A_457, %dma_wait3A_458, %dma_wait3A_459] : memref<2x8x8x129xf32, #tpu.memory_space<vmem>> -> memref<2x8x8x128xf32, #tpu.memory_space<vmem>>
        %dma_wait3A_461 = arith.constant 0 : i32
        %dma_wait3A_462 = arith.constant 0 : i32
        %dma_wait3A_463 = arith.constant 0 : i32
        %dma_wait3A_464 = tpu.memref_slice %arg4[%mul3A_449, %dma_wait3A_461, %add3A, %dma_wait3A_462, %dma_wait3A_463] : memref<200x8x32x8x128xf32, #tpu.memory_space<hbm>> -> memref<2x8x1x8x128xf32, #tpu.memory_space<hbm>>
        %dma_wait3A_465 = tpu.memref_squeeze %dma_wait3A_464 : memref<2x8x1x8x128xf32, #tpu.memory_space<hbm>> -> memref<2x8x8x128xf32, #tpu.memory_space<hbm>>
        %dma_wait3A_466 = arith.constant 0 : i32
        %dma_wait3A_467 = arith.constant 0 : i32
        %dma_wait3A_468 = arith.constant 0 : i32
        %dma_wait3A_469 = tpu.memref_slice %arg4[%mul3A_449, %dma_wait3A_466, %add3A, %dma_wait3A_467, %dma_wait3A_468] : memref<200x8x32x8x128xf32, #tpu.memory_space<hbm>> -> memref<2x8x1x8x128xf32, #tpu.memory_space<hbm>>
        %dma_wait3A_470 = tpu.memref_squeeze %dma_wait3A_469 : memref<2x8x1x8x128xf32, #tpu.memory_space<hbm>> -> memref<2x8x8x128xf32, #tpu.memory_space<hbm>>
        %dma_wait3A_471 = arith.constant 0 : i32
        %dma_wait3A_472 = arith.constant 0 : i32
        %dma_wait3A_473 = arith.constant 0 : i32
        %dma_wait3A_474 = arith.constant 0 : i32
        %dma_wait3A_475 = tpu.memref_slice %arg7[%scan3A, %dma_wait3A_471, %dma_wait3A_472, %dma_wait3A_473, %dma_wait3A_474] : memref<2x2x8x8x129xf32, #tpu.memory_space<vmem>> -> memref<1x2x8x8x129xf32, #tpu.memory_space<vmem>>
        %dma_wait3A_476 = tpu.memref_squeeze %dma_wait3A_475 : memref<1x2x8x8x129xf32, #tpu.memory_space<vmem>> -> memref<2x8x8x129xf32, #tpu.memory_space<vmem>>
        %dma_wait3A_477 = arith.constant 0 : i32
        %dma_wait3A_478 = arith.constant 0 : i32
        %dma_wait3A_479 = arith.constant 0 : i32
        %dma_wait3A_480 = arith.constant 0 : i32
        %dma_wait3A_481 = tpu.memref_slice %dma_wait3A_476[%dma_wait3A_477, %dma_wait3A_478, %dma_wait3A_479, %dma_wait3A_480] : memref<2x8x8x129xf32, #tpu.memory_space<vmem>> -> memref<2x8x8x128xf32, #tpu.memory_space<vmem>>
        tpu.wait_dma2 semaphore(%arg11 : memref<!tpu.dma_semaphore, #tpu.memory_space<semaphore_mem>>) src(%dma_wait3A_481 : memref<2x8x8x128xf32, #tpu.memory_space<vmem>>) dst(%dma_wait3A_470 : memref<2x8x8x128xf32, #tpu.memory_space<hbm>>)
      } else {
      }
      %add3A_325 = arith.constant 1 : i32
      %add3A_326 = arith.addi %add3A_322, %add3A_325 : i32
      %dma_start3A_327 = arith.constant 0 : i32
      %dma_start3A_328 = arith.constant 0 : i32
      %dma_start3A_329 = tpu.memref_slice %arg6[%scan3A_239, %dma_start3A_327, %dma_start3A_328] : memref<2x256x64xf32, #tpu.memory_space<vmem>> -> memref<1x256x64xf32, #tpu.memory_space<vmem>>
      %dma_start3A_330 = tpu.memref_squeeze %dma_start3A_329 : memref<1x256x64xf32, #tpu.memory_space<vmem>> -> memref<256x64xf32, #tpu.memory_space<vmem>>
      %dma_start3A_331 = arith.constant 0 : i32
      %dma_start3A_332 = tpu.memref_slice %arg5[%add3A_326, %dma_start3A_331] : memref<100x256xi32, #tpu.memory_space<vmem>> -> memref<1x256xi32, #tpu.memory_space<vmem>>
      %dma_start3A_333 = tpu.memref_squeeze %dma_start3A_332 : memref<1x256xi32, #tpu.memory_space<vmem>> -> memref<256xi32, #tpu.memory_space<vmem>>
      %dma_start3A_334 = arith.constant 0 : i32
      %dma_start3A_335 = arith.constant 0 : i32
      %dma_start3A_336 = tpu.memref_slice %arg3[%dma_start3A_334, %dma_start3A_335] : memref<1000000x64xf32, #tpu.memory_space<hbm>> -> memref<1000000x64xf32, #tpu.memory_space<hbm>>
      tpu.enqueue_indirect_dma source(%dma_start3A_336 : memref<1000000x64xf32, #tpu.memory_space<hbm>>) target(%dma_start3A_330 : memref<256x64xf32, #tpu.memory_space<vmem>>) offsets(%dma_start3A_333 : memref<256xi32, #tpu.memory_space<vmem>>) semaphore(%arg9 : memref<!tpu.dma_semaphore, #tpu.memory_space<semaphore_mem>>)
      %dma_wait3A_337 = arith.constant 0 : i32
      %dma_wait3A_338 = arith.constant 0 : i32
      %dma_wait3A_339 = tpu.memref_slice %arg6[%scan3A_240, %dma_wait3A_337, %dma_wait3A_338] : memref<2x256x64xf32, #tpu.memory_space<vmem>> -> memref<1x256x64xf32, #tpu.memory_space<vmem>>
      %dma_wait3A_340 = tpu.memref_squeeze %dma_wait3A_339 : memref<1x256x64xf32, #tpu.memory_space<vmem>> -> memref<256x64xf32, #tpu.memory_space<vmem>>
      %dma_wait3A_341 = arith.constant 0 : i32
      %dma_wait3A_342 = tpu.memref_slice %arg5[%add3A_322, %dma_wait3A_341] : memref<100x256xi32, #tpu.memory_space<vmem>> -> memref<1x256xi32, #tpu.memory_space<vmem>>
      %dma_wait3A_343 = tpu.memref_squeeze %dma_wait3A_342 : memref<1x256xi32, #tpu.memory_space<vmem>> -> memref<256xi32, #tpu.memory_space<vmem>>
      %dma_wait3A_344 = arith.constant 0 : i32
      %dma_wait3A_345 = arith.constant 0 : i32
      %dma_wait3A_346 = tpu.memref_slice %arg3[%dma_wait3A_344, %dma_wait3A_345] : memref<1000000x64xf32, #tpu.memory_space<hbm>> -> memref<1000000x64xf32, #tpu.memory_space<hbm>>
      tpu.wait_indirect_dma semaphore(%arg8 : memref<!tpu.dma_semaphore, #tpu.memory_space<semaphore_mem>>) src(%dma_wait3A_346 : memref<1000000x64xf32, #tpu.memory_space<hbm>>) dst(%dma_wait3A_340 : memref<256x64xf32, #tpu.memory_space<vmem>>)
      %scan3A_347 = arith.constant 0 : i32
      %scan3A_348 = arith.constant 0 : i32
      %scan3A_349 = arith.constant 128 : i32
      %scan3A_350 = arith.addi %scan3A_348, %scan3A_349 : i32
      %scan3A_351 = arith.constant 2 : i32
      scf.for %scan3A_446 = %scan3A_348 to %scan3A_350 step %scan3A_351  : i32 {
        %add3A_447 = arith.constant 0 : i32
        %add3A_448 = vector.broadcast %add3A_447 : i32 to vector<16xi32>
        %add3A_449 = arith.addi %broadcast_in_dim3A_1, %add3A_448 : vector<16xi32>
        %add3A_450 = vector.broadcast %scan3A_446 : i32 to vector<16xi32>
        %add3A_451 = arith.addi %broadcast_in_dim3A_1, %add3A_450 : vector<16xi32>
        %add3A_452 = arith.constant 0 : i32
        %add3A_453 = arith.addi %add3A_452, %scan3A_446 : i32
        %get3A = arith.constant 0 : i32
        %get3A_454 = arith.constant 0 : i32
        %get3A_455 = tpu.memref_slice %arg6[%scan3A_240, %get3A, %get3A_454] : memref<2x256x64xf32, #tpu.memory_space<vmem>> -> memref<1x256x64xf32, #tpu.memory_space<vmem>>
        %get3A_456 = tpu.memref_squeeze %get3A_455 : memref<1x256x64xf32, #tpu.memory_space<vmem>> -> memref<256x64xf32, #tpu.memory_space<vmem>>
        %get3A_457 = arith.index_cast %add3A_453 : i32 to index
        %get3A_458 = arith.constant 0 : index
        %get3A_459 = tpu.vector_load %get3A_456[%get3A_457, %get3A_458] {strides = array<i32>} : memref<256x64xf32, #tpu.memory_space<vmem>>, vector<16xf32>,
        %mul3A_460 = arith.constant 8.000000e+00 : f32
        %mul3A_461 = vector.broadcast %mul3A_460 : f32 to vector<16xf32>
        %mul3A_462 = arith.mulf %get3A_459, %mul3A_461 : vector<16xf32>
        %scatter3A = arith.constant 0 : i32
        %scatter3A_463 = arith.constant 0 : i32
        %scatter3A_464 = arith.constant 0 : i32
        %scatter3A_465 = arith.constant 0 : i32
        %scatter3A_466 = tpu.memref_slice %arg7[%scan3A_241, %scatter3A, %scatter3A_463, %scatter3A_464, %scatter3A_465] : memref<2x2x8x8x129xf32, #tpu.memory_space<vmem>> -> memref<1x2x8x8x129xf32, #tpu.memory_space<vmem>>
        %scatter3A_467 = tpu.memref_squeeze %scatter3A_466 : memref<1x2x8x8x129xf32, #tpu.memory_space<vmem>> -> memref<2x8x8x129xf32, #tpu.memory_space<vmem>>
        tpu.vector_store_idx %scatter3A_467[%add3A_449, %select_n3A, %select_n3A_50, %add3A_451], %mul3A_462 : memref<2x8x8x129xf32, #tpu.memory_space<vmem>>[vector<16xi32>, vector<16xi32>, vector<16xi32>, vector<16xi32>], vector<16xf32>,
        %add3A_468 = arith.constant 0 : i32
        %add3A_469 = arith.addi %add3A_468, %scan3A_446 : i32
        %get3A_470 = arith.constant 0 : i32
        %get3A_471 = arith.constant 0 : i32
        %get3A_472 = tpu.memref_slice %arg6[%scan3A_240, %get3A_470, %get3A_471] : memref<2x256x64xf32, #tpu.memory_space<vmem>> -> memref<1x256x64xf32, #tpu.memory_space<vmem>>
        %get3A_473 = tpu.memref_squeeze %get3A_472 : memref<1x256x64xf32, #tpu.memory_space<vmem>> -> memref<256x64xf32, #tpu.memory_space<vmem>>
        %get3A_474 = arith.index_cast %add3A_469 : i32 to index
        %get3A_475 = arith.constant 16 : index
        %get3A_476 = tpu.vector_load %get3A_473[%get3A_474, %get3A_475] {strides = array<i32>} : memref<256x64xf32, #tpu.memory_space<vmem>>, vector<16xf32>,
        %mul3A_477 = arith.constant 8.000000e+00 : f32
        %mul3A_478 = vector.broadcast %mul3A_477 : f32 to vector<16xf32>
        %mul3A_479 = arith.mulf %get3A_476, %mul3A_478 : vector<16xf32>
        %scatter3A_480 = arith.constant 0 : i32
        %scatter3A_481 = arith.constant 0 : i32
        %scatter3A_482 = arith.constant 0 : i32
        %scatter3A_483 = arith.constant 0 : i32
        %scatter3A_484 = tpu.memref_slice %arg7[%scan3A_241, %scatter3A_480, %scatter3A_481, %scatter3A_482, %scatter3A_483] : memref<2x2x8x8x129xf32, #tpu.memory_space<vmem>> -> memref<1x2x8x8x129xf32, #tpu.memory_space<vmem>>
        %scatter3A_485 = tpu.memref_squeeze %scatter3A_484 : memref<1x2x8x8x129xf32, #tpu.memory_space<vmem>> -> memref<2x8x8x129xf32, #tpu.memory_space<vmem>>
        tpu.vector_store_idx %scatter3A_485[%add3A_449, %select_n3A_84, %select_n3A_109, %add3A_451], %mul3A_479 : memref<2x8x8x129xf32, #tpu.memory_space<vmem>>[vector<16xi32>, vector<16xi32>, vector<16xi32>, vector<16xi32>], vector<16xf32>,
        %add3A_486 = arith.constant 0 : i32
        %add3A_487 = arith.addi %add3A_486, %scan3A_446 : i32
        %get3A_488 = arith.constant 0 : i32
        %get3A_489 = arith.constant 0 : i32
        %get3A_490 = tpu.memref_slice %arg6[%scan3A_240, %get3A_488, %get3A_489] : memref<2x256x64xf32, #tpu.memory_space<vmem>> -> memref<1x256x64xf32, #tpu.memory_space<vmem>>
        %get3A_491 = tpu.memref_squeeze %get3A_490 : memref<1x256x64xf32, #tpu.memory_space<vmem>> -> memref<256x64xf32, #tpu.memory_space<vmem>>
        %get3A_492 = arith.index_cast %add3A_487 : i32 to index
        %get3A_493 = arith.constant 32 : index
        %get3A_494 = tpu.vector_load %get3A_491[%get3A_492, %get3A_493] {strides = array<i32>} : memref<256x64xf32, #tpu.memory_space<vmem>>, vector<16xf32>,
        %mul3A_495 = arith.constant 8.000000e+00 : f32
        %mul3A_496 = vector.broadcast %mul3A_495 : f32 to vector<16xf32>
        %mul3A_497 = arith.mulf %get3A_494, %mul3A_496 : vector<16xf32>
        %scatter3A_498 = arith.constant 0 : i32
        %scatter3A_499 = arith.constant 0 : i32
        %scatter3A_500 = arith.constant 0 : i32
        %scatter3A_501 = arith.constant 0 : i32
        %scatter3A_502 = tpu.memref_slice %arg7[%scan3A_241, %scatter3A_498, %scatter3A_499, %scatter3A_500, %scatter3A_501] : memref<2x2x8x8x129xf32, #tpu.memory_space<vmem>> -> memref<1x2x8x8x129xf32, #tpu.memory_space<vmem>>
        %scatter3A_503 = tpu.memref_squeeze %scatter3A_502 : memref<1x2x8x8x129xf32, #tpu.memory_space<vmem>> -> memref<2x8x8x129xf32, #tpu.memory_space<vmem>>
        tpu.vector_store_idx %scatter3A_503[%add3A_449, %select_n3A_143, %select_n3A_168, %add3A_451], %mul3A_497 : memref<2x8x8x129xf32, #tpu.memory_space<vmem>>[vector<16xi32>, vector<16xi32>, vector<16xi32>, vector<16xi32>], vector<16xf32>,
        %add3A_504 = arith.constant 0 : i32
        %add3A_505 = arith.addi %add3A_504, %scan3A_446 : i32
        %get3A_506 = arith.constant 0 : i32
        %get3A_507 = arith.constant 0 : i32
        %get3A_508 = tpu.memref_slice %arg6[%scan3A_240, %get3A_506, %get3A_507] : memref<2x256x64xf32, #tpu.memory_space<vmem>> -> memref<1x256x64xf32, #tpu.memory_space<vmem>>
        %get3A_509 = tpu.memref_squeeze %get3A_508 : memref<1x256x64xf32, #tpu.memory_space<vmem>> -> memref<256x64xf32, #tpu.memory_space<vmem>>
        %get3A_510 = arith.index_cast %add3A_505 : i32 to index
        %get3A_511 = arith.constant 48 : index
        %get3A_512 = tpu.vector_load %get3A_509[%get3A_510, %get3A_511] {strides = array<i32>} : memref<256x64xf32, #tpu.memory_space<vmem>>, vector<16xf32>,
        %mul3A_513 = arith.constant 8.000000e+00 : f32
        %mul3A_514 = vector.broadcast %mul3A_513 : f32 to vector<16xf32>
        %mul3A_515 = arith.mulf %get3A_512, %mul3A_514 : vector<16xf32>
        %scatter3A_516 = arith.constant 0 : i32
        %scatter3A_517 = arith.constant 0 : i32
        %scatter3A_518 = arith.constant 0 : i32
        %scatter3A_519 = arith.constant 0 : i32
        %scatter3A_520 = tpu.memref_slice %arg7[%scan3A_241, %scatter3A_516, %scatter3A_517, %scatter3A_518, %scatter3A_519] : memref<2x2x8x8x129xf32, #tpu.memory_space<vmem>> -> memref<1x2x8x8x129xf32, #tpu.memory_space<vmem>>
        %scatter3A_521 = tpu.memref_squeeze %scatter3A_520 : memref<1x2x8x8x129xf32, #tpu.memory_space<vmem>> -> memref<2x8x8x129xf32, #tpu.memory_space<vmem>>
        tpu.vector_store_idx %scatter3A_521[%add3A_449, %select_n3A_202, %select_n3A_227, %add3A_451], %mul3A_515 : memref<2x8x8x129xf32, #tpu.memory_space<vmem>>[vector<16xi32>, vector<16xi32>, vector<16xi32>, vector<16xi32>], vector<16xf32>,
        %add3A_522 = arith.constant 1 : i32
        %add3A_523 = vector.broadcast %add3A_522 : i32 to vector<16xi32>
        %add3A_524 = arith.addi %broadcast_in_dim3A_1, %add3A_523 : vector<16xi32>
        %add3A_525 = vector.broadcast %scan3A_446 : i32 to vector<16xi32>
        %add3A_526 = arith.addi %broadcast_in_dim3A_1, %add3A_525 : vector<16xi32>
        %add3A_527 = arith.constant 128 : i32
        %add3A_528 = arith.addi %add3A_527, %scan3A_446 : i32
        %get3A_529 = arith.constant 0 : i32
        %get3A_530 = arith.constant 0 : i32
        %get3A_531 = tpu.memref_slice %arg6[%scan3A_240, %get3A_529, %get3A_530] : memref<2x256x64xf32, #tpu.memory_space<vmem>> -> memref<1x256x64xf32, #tpu.memory_space<vmem>>
        %get3A_532 = tpu.memref_squeeze %get3A_531 : memref<1x256x64xf32, #tpu.memory_space<vmem>> -> memref<256x64xf32, #tpu.memory_space<vmem>>
        %get3A_533 = arith.index_cast %add3A_528 : i32 to index
        %get3A_534 = arith.constant 0 : index
        %get3A_535 = tpu.vector_load %get3A_532[%get3A_533, %get3A_534] {strides = array<i32>} : memref<256x64xf32, #tpu.memory_space<vmem>>, vector<16xf32>,
        %mul3A_536 = arith.constant 8.000000e+00 : f32
        %mul3A_537 = vector.broadcast %mul3A_536 : f32 to vector<16xf32>
        %mul3A_538 = arith.mulf %get3A_535, %mul3A_537 : vector<16xf32>
        %scatter3A_539 = arith.constant 0 : i32
        %scatter3A_540 = arith.constant 0 : i32
        %scatter3A_541 = arith.constant 0 : i32
        %scatter3A_542 = arith.constant 0 : i32
        %scatter3A_543 = tpu.memref_slice %arg7[%scan3A_241, %scatter3A_539, %scatter3A_540, %scatter3A_541, %scatter3A_542] : memref<2x2x8x8x129xf32, #tpu.memory_space<vmem>> -> memref<1x2x8x8x129xf32, #tpu.memory_space<vmem>>
        %scatter3A_544 = tpu.memref_squeeze %scatter3A_543 : memref<1x2x8x8x129xf32, #tpu.memory_space<vmem>> -> memref<2x8x8x129xf32, #tpu.memory_space<vmem>>
        tpu.vector_store_idx %scatter3A_544[%add3A_524, %select_n3A, %select_n3A_50, %add3A_526], %mul3A_538 : memref<2x8x8x129xf32, #tpu.memory_space<vmem>>[vector<16xi32>, vector<16xi32>, vector<16xi32>, vector<16xi32>], vector<16xf32>,
        %add3A_545 = arith.constant 128 : i32
        %add3A_546 = arith.addi %add3A_545, %scan3A_446 : i32
        %get3A_547 = arith.constant 0 : i32
        %get3A_548 = arith.constant 0 : i32
        %get3A_549 = tpu.memref_slice %arg6[%scan3A_240, %get3A_547, %get3A_548] : memref<2x256x64xf32, #tpu.memory_space<vmem>> -> memref<1x256x64xf32, #tpu.memory_space<vmem>>
        %get3A_550 = tpu.memref_squeeze %get3A_549 : memref<1x256x64xf32, #tpu.memory_space<vmem>> -> memref<256x64xf32, #tpu.memory_space<vmem>>
        %get3A_551 = arith.index_cast %add3A_546 : i32 to index
        %get3A_552 = arith.constant 16 : index
        %get3A_553 = tpu.vector_load %get3A_550[%get3A_551, %get3A_552] {strides = array<i32>} : memref<256x64xf32, #tpu.memory_space<vmem>>, vector<16xf32>,
        %mul3A_554 = arith.constant 8.000000e+00 : f32
        %mul3A_555 = vector.broadcast %mul3A_554 : f32 to vector<16xf32>
        %mul3A_556 = arith.mulf %get3A_553, %mul3A_555 : vector<16xf32>
        %scatter3A_557 = arith.constant 0 : i32
        %scatter3A_558 = arith.constant 0 : i32
        %scatter3A_559 = arith.constant 0 : i32
        %scatter3A_560 = arith.constant 0 : i32
        %scatter3A_561 = tpu.memref_slice %arg7[%scan3A_241, %scatter3A_557, %scatter3A_558, %scatter3A_559, %scatter3A_560] : memref<2x2x8x8x129xf32, #tpu.memory_space<vmem>> -> memref<1x2x8x8x129xf32, #tpu.memory_space<vmem>>
        %scatter3A_562 = tpu.memref_squeeze %scatter3A_561 : memref<1x2x8x8x129xf32, #tpu.memory_space<vmem>> -> memref<2x8x8x129xf32, #tpu.memory_space<vmem>>
        tpu.vector_store_idx %scatter3A_562[%add3A_524, %select_n3A_84, %select_n3A_109, %add3A_526], %mul3A_556 : memref<2x8x8x129xf32, #tpu.memory_space<vmem>>[vector<16xi32>, vector<16xi32>, vector<16xi32>, vector<16xi32>], vector<16xf32>,
        %add3A_563 = arith.constant 128 : i32
        %add3A_564 = arith.addi %add3A_563, %scan3A_446 : i32
        %get3A_565 = arith.constant 0 : i32
        %get3A_566 = arith.constant 0 : i32
        %get3A_567 = tpu.memref_slice %arg6[%scan3A_240, %get3A_565, %get3A_566] : memref<2x256x64xf32, #tpu.memory_space<vmem>> -> memref<1x256x64xf32, #tpu.memory_space<vmem>>
        %get3A_568 = tpu.memref_squeeze %get3A_567 : memref<1x256x64xf32, #tpu.memory_space<vmem>> -> memref<256x64xf32, #tpu.memory_space<vmem>>
        %get3A_569 = arith.index_cast %add3A_564 : i32 to index
        %get3A_570 = arith.constant 32 : index
        %get3A_571 = tpu.vector_load %get3A_568[%get3A_569, %get3A_570] {strides = array<i32>} : memref<256x64xf32, #tpu.memory_space<vmem>>, vector<16xf32>,
        %mul3A_572 = arith.constant 8.000000e+00 : f32
        %mul3A_573 = vector.broadcast %mul3A_572 : f32 to vector<16xf32>
        %mul3A_574 = arith.mulf %get3A_571, %mul3A_573 : vector<16xf32>
        %scatter3A_575 = arith.constant 0 : i32
        %scatter3A_576 = arith.constant 0 : i32
        %scatter3A_577 = arith.constant 0 : i32
        %scatter3A_578 = arith.constant 0 : i32
        %scatter3A_579 = tpu.memref_slice %arg7[%scan3A_241, %scatter3A_575, %scatter3A_576, %scatter3A_577, %scatter3A_578] : memref<2x2x8x8x129xf32, #tpu.memory_space<vmem>> -> memref<1x2x8x8x129xf32, #tpu.memory_space<vmem>>
        %scatter3A_580 = tpu.memref_squeeze %scatter3A_579 : memref<1x2x8x8x129xf32, #tpu.memory_space<vmem>> -> memref<2x8x8x129xf32, #tpu.memory_space<vmem>>
        tpu.vector_store_idx %scatter3A_580[%add3A_524, %select_n3A_143, %select_n3A_168, %add3A_526], %mul3A_574 : memref<2x8x8x129xf32, #tpu.memory_space<vmem>>[vector<16xi32>, vector<16xi32>, vector<16xi32>, vector<16xi32>], vector<16xf32>,
        %add3A_581 = arith.constant 128 : i32
        %add3A_582 = arith.addi %add3A_581, %scan3A_446 : i32
        %get3A_583 = arith.constant 0 : i32
        %get3A_584 = arith.constant 0 : i32
        %get3A_585 = tpu.memref_slice %arg6[%scan3A_240, %get3A_583, %get3A_584] : memref<2x256x64xf32, #tpu.memory_space<vmem>> -> memref<1x256x64xf32, #tpu.memory_space<vmem>>
        %get3A_586 = tpu.memref_squeeze %get3A_585 : memref<1x256x64xf32, #tpu.memory_space<vmem>> -> memref<256x64xf32, #tpu.memory_space<vmem>>
        %get3A_587 = arith.index_cast %add3A_582 : i32 to index
        %get3A_588 = arith.constant 48 : index
        %get3A_589 = tpu.vector_load %get3A_586[%get3A_587, %get3A_588] {strides = array<i32>} : memref<256x64xf32, #tpu.memory_space<vmem>>, vector<16xf32>,
        %mul3A_590 = arith.constant 8.000000e+00 : f32
        %mul3A_591 = vector.broadcast %mul3A_590 : f32 to vector<16xf32>
        %mul3A_592 = arith.mulf %get3A_589, %mul3A_591 : vector<16xf32>
        %scatter3A_593 = arith.constant 0 : i32
        %scatter3A_594 = arith.constant 0 : i32
        %scatter3A_595 = arith.constant 0 : i32
        %scatter3A_596 = arith.constant 0 : i32
        %scatter3A_597 = tpu.memref_slice %arg7[%scan3A_241, %scatter3A_593, %scatter3A_594, %scatter3A_595, %scatter3A_596] : memref<2x2x8x8x129xf32, #tpu.memory_space<vmem>> -> memref<1x2x8x8x129xf32, #tpu.memory_space<vmem>>
        %scatter3A_598 = tpu.memref_squeeze %scatter3A_597 : memref<1x2x8x8x129xf32, #tpu.memory_space<vmem>> -> memref<2x8x8x129xf32, #tpu.memory_space<vmem>>
        tpu.vector_store_idx %scatter3A_598[%add3A_524, %select_n3A_202, %select_n3A_227, %add3A_526], %mul3A_592 : memref<2x8x8x129xf32, #tpu.memory_space<vmem>>[vector<16xi32>, vector<16xi32>, vector<16xi32>, vector<16xi32>], vector<16xf32>,
        %scan3A_599 = arith.constant 1 : i32
        %scan3A_600 = arith.addi %scan3A_446, %scan3A_599 : i32
        %add3A_601 = arith.constant 0 : i32
        %add3A_602 = vector.broadcast %add3A_601 : i32 to vector<16xi32>
        %add3A_603 = arith.addi %broadcast_in_dim3A_1, %add3A_602 : vector<16xi32>
        %add3A_604 = vector.broadcast %scan3A_600 : i32 to vector<16xi32>
        %add3A_605 = arith.addi %broadcast_in_dim3A_1, %add3A_604 : vector<16xi32>
        %add3A_606 = arith.constant 0 : i32
        %add3A_607 = arith.addi %add3A_606, %scan3A_600 : i32
        %get3A_608 = arith.constant 0 : i32
        %get3A_609 = arith.constant 0 : i32
        %get3A_610 = tpu.memref_slice %arg6[%scan3A_240, %get3A_608, %get3A_609] : memref<2x256x64xf32, #tpu.memory_space<vmem>> -> memref<1x256x64xf32, #tpu.memory_space<vmem>>
        %get3A_611 = tpu.memref_squeeze %get3A_610 : memref<1x256x64xf32, #tpu.memory_space<vmem>> -> memref<256x64xf32, #tpu.memory_space<vmem>>
        %get3A_612 = arith.index_cast %add3A_607 : i32 to index
        %get3A_613 = arith.constant 0 : index
        %get3A_614 = tpu.vector_load %get3A_611[%get3A_612, %get3A_613] {strides = array<i32>} : memref<256x64xf32, #tpu.memory_space<vmem>>, vector<16xf32>,
        %mul3A_615 = arith.constant 8.000000e+00 : f32
        %mul3A_616 = vector.broadcast %mul3A_615 : f32 to vector<16xf32>
        %mul3A_617 = arith.mulf %get3A_614, %mul3A_616 : vector<16xf32>
        %scatter3A_618 = arith.constant 0 : i32
        %scatter3A_619 = arith.constant 0 : i32
        %scatter3A_620 = arith.constant 0 : i32
        %scatter3A_621 = arith.constant 0 : i32
        %scatter3A_622 = tpu.memref_slice %arg7[%scan3A_241, %scatter3A_618, %scatter3A_619, %scatter3A_620, %scatter3A_621] : memref<2x2x8x8x129xf32, #tpu.memory_space<vmem>> -> memref<1x2x8x8x129xf32, #tpu.memory_space<vmem>>
        %scatter3A_623 = tpu.memref_squeeze %scatter3A_622 : memref<1x2x8x8x129xf32, #tpu.memory_space<vmem>> -> memref<2x8x8x129xf32, #tpu.memory_space<vmem>>
        tpu.vector_store_idx %scatter3A_623[%add3A_603, %select_n3A, %select_n3A_50, %add3A_605], %mul3A_617 : memref<2x8x8x129xf32, #tpu.memory_space<vmem>>[vector<16xi32>, vector<16xi32>, vector<16xi32>, vector<16xi32>], vector<16xf32>,
        %add3A_624 = arith.constant 0 : i32
        %add3A_625 = arith.addi %add3A_624, %scan3A_600 : i32
        %get3A_626 = arith.constant 0 : i32
        %get3A_627 = arith.constant 0 : i32
        %get3A_628 = tpu.memref_slice %arg6[%scan3A_240, %get3A_626, %get3A_627] : memref<2x256x64xf32, #tpu.memory_space<vmem>> -> memref<1x256x64xf32, #tpu.memory_space<vmem>>
        %get3A_629 = tpu.memref_squeeze %get3A_628 : memref<1x256x64xf32, #tpu.memory_space<vmem>> -> memref<256x64xf32, #tpu.memory_space<vmem>>
        %get3A_630 = arith.index_cast %add3A_625 : i32 to index
        %get3A_631 = arith.constant 16 : index
        %get3A_632 = tpu.vector_load %get3A_629[%get3A_630, %get3A_631] {strides = array<i32>} : memref<256x64xf32, #tpu.memory_space<vmem>>, vector<16xf32>,
        %mul3A_633 = arith.constant 8.000000e+00 : f32
        %mul3A_634 = vector.broadcast %mul3A_633 : f32 to vector<16xf32>
        %mul3A_635 = arith.mulf %get3A_632, %mul3A_634 : vector<16xf32>
        %scatter3A_636 = arith.constant 0 : i32
        %scatter3A_637 = arith.constant 0 : i32
        %scatter3A_638 = arith.constant 0 : i32
        %scatter3A_639 = arith.constant 0 : i32
        %scatter3A_640 = tpu.memref_slice %arg7[%scan3A_241, %scatter3A_636, %scatter3A_637, %scatter3A_638, %scatter3A_639] : memref<2x2x8x8x129xf32, #tpu.memory_space<vmem>> -> memref<1x2x8x8x129xf32, #tpu.memory_space<vmem>>
        %scatter3A_641 = tpu.memref_squeeze %scatter3A_640 : memref<1x2x8x8x129xf32, #tpu.memory_space<vmem>> -> memref<2x8x8x129xf32, #tpu.memory_space<vmem>>
        tpu.vector_store_idx %scatter3A_641[%add3A_603, %select_n3A_84, %select_n3A_109, %add3A_605], %mul3A_635 : memref<2x8x8x129xf32, #tpu.memory_space<vmem>>[vector<16xi32>, vector<16xi32>, vector<16xi32>, vector<16xi32>], vector<16xf32>,
        %add3A_642 = arith.constant 0 : i32
        %add3A_643 = arith.addi %add3A_642, %scan3A_600 : i32
        %get3A_644 = arith.constant 0 : i32
        %get3A_645 = arith.constant 0 : i32
        %get3A_646 = tpu.memref_slice %arg6[%scan3A_240, %get3A_644, %get3A_645] : memref<2x256x64xf32, #tpu.memory_space<vmem>> -> memref<1x256x64xf32, #tpu.memory_space<vmem>>
        %get3A_647 = tpu.memref_squeeze %get3A_646 : memref<1x256x64xf32, #tpu.memory_space<vmem>> -> memref<256x64xf32, #tpu.memory_space<vmem>>
        %get3A_648 = arith.index_cast %add3A_643 : i32 to index
        %get3A_649 = arith.constant 32 : index
        %get3A_650 = tpu.vector_load %get3A_647[%get3A_648, %get3A_649] {strides = array<i32>} : memref<256x64xf32, #tpu.memory_space<vmem>>, vector<16xf32>,
        %mul3A_651 = arith.constant 8.000000e+00 : f32
        %mul3A_652 = vector.broadcast %mul3A_651 : f32 to vector<16xf32>
        %mul3A_653 = arith.mulf %get3A_650, %mul3A_652 : vector<16xf32>
        %scatter3A_654 = arith.constant 0 : i32
        %scatter3A_655 = arith.constant 0 : i32
        %scatter3A_656 = arith.constant 0 : i32
        %scatter3A_657 = arith.constant 0 : i32
        %scatter3A_658 = tpu.memref_slice %arg7[%scan3A_241, %scatter3A_654, %scatter3A_655, %scatter3A_656, %scatter3A_657] : memref<2x2x8x8x129xf32, #tpu.memory_space<vmem>> -> memref<1x2x8x8x129xf32, #tpu.memory_space<vmem>>
        %scatter3A_659 = tpu.memref_squeeze %scatter3A_658 : memref<1x2x8x8x129xf32, #tpu.memory_space<vmem>> -> memref<2x8x8x129xf32, #tpu.memory_space<vmem>>
        tpu.vector_store_idx %scatter3A_659[%add3A_603, %select_n3A_143, %select_n3A_168, %add3A_605], %mul3A_653 : memref<2x8x8x129xf32, #tpu.memory_space<vmem>>[vector<16xi32>, vector<16xi32>, vector<16xi32>, vector<16xi32>], vector<16xf32>,
        %add3A_660 = arith.constant 0 : i32
        %add3A_661 = arith.addi %add3A_660, %scan3A_600 : i32
        %get3A_662 = arith.constant 0 : i32
        %get3A_663 = arith.constant 0 : i32
        %get3A_664 = tpu.memref_slice %arg6[%scan3A_240, %get3A_662, %get3A_663] : memref<2x256x64xf32, #tpu.memory_space<vmem>> -> memref<1x256x64xf32, #tpu.memory_space<vmem>>
        %get3A_665 = tpu.memref_squeeze %get3A_664 : memref<1x256x64xf32, #tpu.memory_space<vmem>> -> memref<256x64xf32, #tpu.memory_space<vmem>>
        %get3A_666 = arith.index_cast %add3A_661 : i32 to index
        %get3A_667 = arith.constant 48 : index
        %get3A_668 = tpu.vector_load %get3A_665[%get3A_666, %get3A_667] {strides = array<i32>} : memref<256x64xf32, #tpu.memory_space<vmem>>, vector<16xf32>,
        %mul3A_669 = arith.constant 8.000000e+00 : f32
        %mul3A_670 = vector.broadcast %mul3A_669 : f32 to vector<16xf32>
        %mul3A_671 = arith.mulf %get3A_668, %mul3A_670 : vector<16xf32>
        %scatter3A_672 = arith.constant 0 : i32
        %scatter3A_673 = arith.constant 0 : i32
        %scatter3A_674 = arith.constant 0 : i32
        %scatter3A_675 = arith.constant 0 : i32
        %scatter3A_676 = tpu.memref_slice %arg7[%scan3A_241, %scatter3A_672, %scatter3A_673, %scatter3A_674, %scatter3A_675] : memref<2x2x8x8x129xf32, #tpu.memory_space<vmem>> -> memref<1x2x8x8x129xf32, #tpu.memory_space<vmem>>
        %scatter3A_677 = tpu.memref_squeeze %scatter3A_676 : memref<1x2x8x8x129xf32, #tpu.memory_space<vmem>> -> memref<2x8x8x129xf32, #tpu.memory_space<vmem>>
        tpu.vector_store_idx %scatter3A_677[%add3A_603, %select_n3A_202, %select_n3A_227, %add3A_605], %mul3A_671 : memref<2x8x8x129xf32, #tpu.memory_space<vmem>>[vector<16xi32>, vector<16xi32>, vector<16xi32>, vector<16xi32>], vector<16xf32>,
        %add3A_678 = arith.constant 1 : i32
        %add3A_679 = vector.broadcast %add3A_678 : i32 to vector<16xi32>
        %add3A_680 = arith.addi %broadcast_in_dim3A_1, %add3A_679 : vector<16xi32>
        %add3A_681 = vector.broadcast %scan3A_600 : i32 to vector<16xi32>
        %add3A_682 = arith.addi %broadcast_in_dim3A_1, %add3A_681 : vector<16xi32>
        %add3A_683 = arith.constant 128 : i32
        %add3A_684 = arith.addi %add3A_683, %scan3A_600 : i32
        %get3A_685 = arith.constant 0 : i32
        %get3A_686 = arith.constant 0 : i32
        %get3A_687 = tpu.memref_slice %arg6[%scan3A_240, %get3A_685, %get3A_686] : memref<2x256x64xf32, #tpu.memory_space<vmem>> -> memref<1x256x64xf32, #tpu.memory_space<vmem>>
        %get3A_688 = tpu.memref_squeeze %get3A_687 : memref<1x256x64xf32, #tpu.memory_space<vmem>> -> memref<256x64xf32, #tpu.memory_space<vmem>>
        %get3A_689 = arith.index_cast %add3A_684 : i32 to index
        %get3A_690 = arith.constant 0 : index
        %get3A_691 = tpu.vector_load %get3A_688[%get3A_689, %get3A_690] {strides = array<i32>} : memref<256x64xf32, #tpu.memory_space<vmem>>, vector<16xf32>,
        %mul3A_692 = arith.constant 8.000000e+00 : f32
        %mul3A_693 = vector.broadcast %mul3A_692 : f32 to vector<16xf32>
        %mul3A_694 = arith.mulf %get3A_691, %mul3A_693 : vector<16xf32>
        %scatter3A_695 = arith.constant 0 : i32
        %scatter3A_696 = arith.constant 0 : i32
        %scatter3A_697 = arith.constant 0 : i32
        %scatter3A_698 = arith.constant 0 : i32
        %scatter3A_699 = tpu.memref_slice %arg7[%scan3A_241, %scatter3A_695, %scatter3A_696, %scatter3A_697, %scatter3A_698] : memref<2x2x8x8x129xf32, #tpu.memory_space<vmem>> -> memref<1x2x8x8x129xf32, #tpu.memory_space<vmem>>
        %scatter3A_700 = tpu.memref_squeeze %scatter3A_699 : memref<1x2x8x8x129xf32, #tpu.memory_space<vmem>> -> memref<2x8x8x129xf32, #tpu.memory_space<vmem>>
        tpu.vector_store_idx %scatter3A_700[%add3A_680, %select_n3A, %select_n3A_50, %add3A_682], %mul3A_694 : memref<2x8x8x129xf32, #tpu.memory_space<vmem>>[vector<16xi32>, vector<16xi32>, vector<16xi32>, vector<16xi32>], vector<16xf32>,
        %add3A_701 = arith.constant 128 : i32
        %add3A_702 = arith.addi %add3A_701, %scan3A_600 : i32
        %get3A_703 = arith.constant 0 : i32
        %get3A_704 = arith.constant 0 : i32
        %get3A_705 = tpu.memref_slice %arg6[%scan3A_240, %get3A_703, %get3A_704] : memref<2x256x64xf32, #tpu.memory_space<vmem>> -> memref<1x256x64xf32, #tpu.memory_space<vmem>>
        %get3A_706 = tpu.memref_squeeze %get3A_705 : memref<1x256x64xf32, #tpu.memory_space<vmem>> -> memref<256x64xf32, #tpu.memory_space<vmem>>
        %get3A_707 = arith.index_cast %add3A_702 : i32 to index
        %get3A_708 = arith.constant 16 : index
        %get3A_709 = tpu.vector_load %get3A_706[%get3A_707, %get3A_708] {strides = array<i32>} : memref<256x64xf32, #tpu.memory_space<vmem>>, vector<16xf32>,
        %mul3A_710 = arith.constant 8.000000e+00 : f32
        %mul3A_711 = vector.broadcast %mul3A_710 : f32 to vector<16xf32>
        %mul3A_712 = arith.mulf %get3A_709, %mul3A_711 : vector<16xf32>
        %scatter3A_713 = arith.constant 0 : i32
        %scatter3A_714 = arith.constant 0 : i32
        %scatter3A_715 = arith.constant 0 : i32
        %scatter3A_716 = arith.constant 0 : i32
        %scatter3A_717 = tpu.memref_slice %arg7[%scan3A_241, %scatter3A_713, %scatter3A_714, %scatter3A_715, %scatter3A_716] : memref<2x2x8x8x129xf32, #tpu.memory_space<vmem>> -> memref<1x2x8x8x129xf32, #tpu.memory_space<vmem>>
        %scatter3A_718 = tpu.memref_squeeze %scatter3A_717 : memref<1x2x8x8x129xf32, #tpu.memory_space<vmem>> -> memref<2x8x8x129xf32, #tpu.memory_space<vmem>>
        tpu.vector_store_idx %scatter3A_718[%add3A_680, %select_n3A_84, %select_n3A_109, %add3A_682], %mul3A_712 : memref<2x8x8x129xf32, #tpu.memory_space<vmem>>[vector<16xi32>, vector<16xi32>, vector<16xi32>, vector<16xi32>], vector<16xf32>,
        %add3A_719 = arith.constant 128 : i32
        %add3A_720 = arith.addi %add3A_719, %scan3A_600 : i32
        %get3A_721 = arith.constant 0 : i32
        %get3A_722 = arith.constant 0 : i32
        %get3A_723 = tpu.memref_slice %arg6[%scan3A_240, %get3A_721, %get3A_722] : memref<2x256x64xf32, #tpu.memory_space<vmem>> -> memref<1x256x64xf32, #tpu.memory_space<vmem>>
        %get3A_724 = tpu.memref_squeeze %get3A_723 : memref<1x256x64xf32, #tpu.memory_space<vmem>> -> memref<256x64xf32, #tpu.memory_space<vmem>>
        %get3A_725 = arith.index_cast %add3A_720 : i32 to index
        %get3A_726 = arith.constant 32 : index
        %get3A_727 = tpu.vector_load %get3A_724[%get3A_725, %get3A_726] {strides = array<i32>} : memref<256x64xf32, #tpu.memory_space<vmem>>, vector<16xf32>,
        %mul3A_728 = arith.constant 8.000000e+00 : f32
        %mul3A_729 = vector.broadcast %mul3A_728 : f32 to vector<16xf32>
        %mul3A_730 = arith.mulf %get3A_727, %mul3A_729 : vector<16xf32>
        %scatter3A_731 = arith.constant 0 : i32
        %scatter3A_732 = arith.constant 0 : i32
        %scatter3A_733 = arith.constant 0 : i32
        %scatter3A_734 = arith.constant 0 : i32
        %scatter3A_735 = tpu.memref_slice %arg7[%scan3A_241, %scatter3A_731, %scatter3A_732, %scatter3A_733, %scatter3A_734] : memref<2x2x8x8x129xf32, #tpu.memory_space<vmem>> -> memref<1x2x8x8x129xf32, #tpu.memory_space<vmem>>
        %scatter3A_736 = tpu.memref_squeeze %scatter3A_735 : memref<1x2x8x8x129xf32, #tpu.memory_space<vmem>> -> memref<2x8x8x129xf32, #tpu.memory_space<vmem>>
        tpu.vector_store_idx %scatter3A_736[%add3A_680, %select_n3A_143, %select_n3A_168, %add3A_682], %mul3A_730 : memref<2x8x8x129xf32, #tpu.memory_space<vmem>>[vector<16xi32>, vector<16xi32>, vector<16xi32>, vector<16xi32>], vector<16xf32>,
        %add3A_737 = arith.constant 128 : i32
        %add3A_738 = arith.addi %add3A_737, %scan3A_600 : i32
        %get3A_739 = arith.constant 0 : i32
        %get3A_740 = arith.constant 0 : i32
        %get3A_741 = tpu.memref_slice %arg6[%scan3A_240, %get3A_739, %get3A_740] : memref<2x256x64xf32, #tpu.memory_space<vmem>> -> memref<1x256x64xf32, #tpu.memory_space<vmem>>
        %get3A_742 = tpu.memref_squeeze %get3A_741 : memref<1x256x64xf32, #tpu.memory_space<vmem>> -> memref<256x64xf32, #tpu.memory_space<vmem>>
        %get3A_743 = arith.index_cast %add3A_738 : i32 to index
        %get3A_744 = arith.constant 48 : index
        %get3A_745 = tpu.vector_load %get3A_742[%get3A_743, %get3A_744] {strides = array<i32>} : memref<256x64xf32, #tpu.memory_space<vmem>>, vector<16xf32>,
        %mul3A_746 = arith.constant 8.000000e+00 : f32
        %mul3A_747 = vector.broadcast %mul3A_746 : f32 to vector<16xf32>
        %mul3A_748 = arith.mulf %get3A_745, %mul3A_747 : vector<16xf32>
        %scatter3A_749 = arith.constant 0 : i32
        %scatter3A_750 = arith.constant 0 : i32
        %scatter3A_751 = arith.constant 0 : i32
        %scatter3A_752 = arith.constant 0 : i32
        %scatter3A_753 = tpu.memref_slice %arg7[%scan3A_241, %scatter3A_749, %scatter3A_750, %scatter3A_751, %scatter3A_752] : memref<2x2x8x8x129xf32, #tpu.memory_space<vmem>> -> memref<1x2x8x8x129xf32, #tpu.memory_space<vmem>>
        %scatter3A_754 = tpu.memref_squeeze %scatter3A_753 : memref<1x2x8x8x129xf32, #tpu.memory_space<vmem>> -> memref<2x8x8x129xf32, #tpu.memory_space<vmem>>
        tpu.vector_store_idx %scatter3A_754[%add3A_680, %select_n3A_202, %select_n3A_227, %add3A_682], %mul3A_748 : memref<2x8x8x129xf32, #tpu.memory_space<vmem>>[vector<16xi32>, vector<16xi32>, vector<16xi32>, vector<16xi32>], vector<16xf32>,
      }
      %scan3A_352 = arith.constant 128 : i32
      %mul3A_353 = arith.constant 2 : i32
      %mul3A_354 = arith.muli %mul3A_353, %add3A_322 : i32
      %dma_start3A_355 = arith.constant 0 : i32
      %dma_start3A_356 = arith.constant 0 : i32
      %dma_start3A_357 = arith.constant 0 : i32
      %dma_start3A_358 = arith.constant 0 : i32
      %dma_start3A_359 = tpu.memref_slice %arg7[%scan3A_241, %dma_start3A_355, %dma_start3A_356, %dma_start3A_357, %dma_start3A_358] : memref<2x2x8x8x129xf32, #tpu.memory_space<vmem>> -> memref<1x2x8x8x129xf32, #tpu.memory_space<vmem>>
      %dma_start3A_360 = tpu.memref_squeeze %dma_start3A_359 : memref<1x2x8x8x129xf32, #tpu.memory_space<vmem>> -> memref<2x8x8x129xf32, #tpu.memory_space<vmem>>
      %dma_start3A_361 = arith.constant 0 : i32
      %dma_start3A_362 = arith.constant 0 : i32
      %dma_start3A_363 = arith.constant 0 : i32
      %dma_start3A_364 = arith.constant 0 : i32
      %dma_start3A_365 = tpu.memref_slice %dma_start3A_360[%dma_start3A_361, %dma_start3A_362, %dma_start3A_363, %dma_start3A_364] : memref<2x8x8x129xf32, #tpu.memory_space<vmem>> -> memref<2x8x8x128xf32, #tpu.memory_space<vmem>>
      %dma_start3A_366 = arith.constant 0 : i32
      %dma_start3A_367 = arith.constant 0 : i32
      %dma_start3A_368 = arith.constant 0 : i32
      %dma_start3A_369 = tpu.memref_slice %arg4[%mul3A_354, %dma_start3A_366, %add3A, %dma_start3A_367, %dma_start3A_368] : memref<200x8x32x8x128xf32, #tpu.memory_space<hbm>> -> memref<2x8x1x8x128xf32, #tpu.memory_space<hbm>>
      %dma_start3A_370 = tpu.memref_squeeze %dma_start3A_369 : memref<2x8x1x8x128xf32, #tpu.memory_space<hbm>> -> memref<2x8x8x128xf32, #tpu.memory_space<hbm>>
      %dma_start3A_371 = arith.constant 0 : i32
      %dma_start3A_372 = arith.constant 0 : i32
      %dma_start3A_373 = arith.constant 0 : i32
      %dma_start3A_374 = tpu.memref_slice %arg4[%mul3A_354, %dma_start3A_371, %add3A, %dma_start3A_372, %dma_start3A_373] : memref<200x8x32x8x128xf32, #tpu.memory_space<hbm>> -> memref<2x8x1x8x128xf32, #tpu.memory_space<hbm>>
      %dma_start3A_375 = tpu.memref_squeeze %dma_start3A_374 : memref<2x8x1x8x128xf32, #tpu.memory_space<hbm>> -> memref<2x8x8x128xf32, #tpu.memory_space<hbm>>
      %dma_start3A_376 = arith.constant 0 : i32
      %dma_start3A_377 = arith.constant 0 : i32
      %dma_start3A_378 = arith.constant 0 : i32
      %dma_start3A_379 = arith.constant 0 : i32
      %dma_start3A_380 = tpu.memref_slice %arg7[%scan3A_241, %dma_start3A_376, %dma_start3A_377, %dma_start3A_378, %dma_start3A_379] : memref<2x2x8x8x129xf32, #tpu.memory_space<vmem>> -> memref<1x2x8x8x129xf32, #tpu.memory_space<vmem>>
      %dma_start3A_381 = tpu.memref_squeeze %dma_start3A_380 : memref<1x2x8x8x129xf32, #tpu.memory_space<vmem>> -> memref<2x8x8x129xf32, #tpu.memory_space<vmem>>
      %dma_start3A_382 = arith.constant 0 : i32
      %dma_start3A_383 = arith.constant 0 : i32
      %dma_start3A_384 = arith.constant 0 : i32
      %dma_start3A_385 = arith.constant 0 : i32
      %dma_start3A_386 = tpu.memref_slice %dma_start3A_381[%dma_start3A_382, %dma_start3A_383, %dma_start3A_384, %dma_start3A_385] : memref<2x8x8x129xf32, #tpu.memory_space<vmem>> -> memref<2x8x8x128xf32, #tpu.memory_space<vmem>>
      tpu.enqueue_dma source(%dma_start3A_386 : memref<2x8x8x128xf32, #tpu.memory_space<vmem>>) target(%dma_start3A_375 : memref<2x8x8x128xf32, #tpu.memory_space<hbm>>) target_semaphore(%arg10 : memref<!tpu.dma_semaphore, #tpu.memory_space<semaphore_mem>>)
      %add3A_387 = arith.constant 1 : i32
      %add3A_388 = arith.addi %add3A_320, %add3A_387 : i32
      %add3A_389 = arith.constant 1 : i32
      %add3A_390 = arith.addi %add3A_388, %add3A_389 : i32
      %lt3A_391 = arith.constant 100 : i32
      %lt3A_392 = arith.cmpi slt, %add3A_390, %lt3A_391 : i32
      %convert_element_type3A_393 = arith.extui %lt3A_392 : i1 to i32
      %cond3A_394 = arith.constant 0 : i32
      %cond3A_395 = arith.cmpi ne, %convert_element_type3A_393, %cond3A_394 : i32
      scf.if %cond3A_395 {
        %sub3A_446 = arith.constant 1 : i32
        %sub3A_447 = arith.subi %add3A_388, %sub3A_446 : i32
        %mul3A_448 = arith.constant 2 : i32
        %mul3A_449 = arith.muli %mul3A_448, %sub3A_447 : i32
        %dma_wait3A_450 = arith.constant 0 : i32
        %dma_wait3A_451 = arith.constant 0 : i32
        %dma_wait3A_452 = arith.constant 0 : i32
        %dma_wait3A_453 = arith.constant 0 : i32
        %dma_wait3A_454 = tpu.memref_slice %arg7[%scan3A_241, %dma_wait3A_450, %dma_wait3A_451, %dma_wait3A_452, %dma_wait3A_453] : memref<2x2x8x8x129xf32, #tpu.memory_space<vmem>> -> memref<1x2x8x8x129xf32, #tpu.memory_space<vmem>>
        %dma_wait3A_455 = tpu.memref_squeeze %dma_wait3A_454 : memref<1x2x8x8x129xf32, #tpu.memory_space<vmem>> -> memref<2x8x8x129xf32, #tpu.memory_space<vmem>>
        %dma_wait3A_456 = arith.constant 0 : i32
        %dma_wait3A_457 = arith.constant 0 : i32
        %dma_wait3A_458 = arith.constant 0 : i32
        %dma_wait3A_459 = arith.constant 0 : i32
        %dma_wait3A_460 = tpu.memref_slice %dma_wait3A_455[%dma_wait3A_456, %dma_wait3A_457, %dma_wait3A_458, %dma_wait3A_459] : memref<2x8x8x129xf32, #tpu.memory_space<vmem>> -> memref<2x8x8x128xf32, #tpu.memory_space<vmem>>
        %dma_wait3A_461 = arith.constant 0 : i32
        %dma_wait3A_462 = arith.constant 0 : i32
        %dma_wait3A_463 = arith.constant 0 : i32
        %dma_wait3A_464 = tpu.memref_slice %arg4[%mul3A_449, %dma_wait3A_461, %add3A, %dma_wait3A_462, %dma_wait3A_463] : memref<200x8x32x8x128xf32, #tpu.memory_space<hbm>> -> memref<2x8x1x8x128xf32, #tpu.memory_space<hbm>>
        %dma_wait3A_465 = tpu.memref_squeeze %dma_wait3A_464 : memref<2x8x1x8x128xf32, #tpu.memory_space<hbm>> -> memref<2x8x8x128xf32, #tpu.memory_space<hbm>>
        %dma_wait3A_466 = arith.constant 0 : i32
        %dma_wait3A_467 = arith.constant 0 : i32
        %dma_wait3A_468 = arith.constant 0 : i32
        %dma_wait3A_469 = tpu.memref_slice %arg4[%mul3A_449, %dma_wait3A_466, %add3A, %dma_wait3A_467, %dma_wait3A_468] : memref<200x8x32x8x128xf32, #tpu.memory_space<hbm>> -> memref<2x8x1x8x128xf32, #tpu.memory_space<hbm>>
        %dma_wait3A_470 = tpu.memref_squeeze %dma_wait3A_469 : memref<2x8x1x8x128xf32, #tpu.memory_space<hbm>> -> memref<2x8x8x128xf32, #tpu.memory_space<hbm>>
        %dma_wait3A_471 = arith.constant 0 : i32
        %dma_wait3A_472 = arith.constant 0 : i32
        %dma_wait3A_473 = arith.constant 0 : i32
        %dma_wait3A_474 = arith.constant 0 : i32
        %dma_wait3A_475 = tpu.memref_slice %arg7[%scan3A_241, %dma_wait3A_471, %dma_wait3A_472, %dma_wait3A_473, %dma_wait3A_474] : memref<2x2x8x8x129xf32, #tpu.memory_space<vmem>> -> memref<1x2x8x8x129xf32, #tpu.memory_space<vmem>>
        %dma_wait3A_476 = tpu.memref_squeeze %dma_wait3A_475 : memref<1x2x8x8x129xf32, #tpu.memory_space<vmem>> -> memref<2x8x8x129xf32, #tpu.memory_space<vmem>>
        %dma_wait3A_477 = arith.constant 0 : i32
        %dma_wait3A_478 = arith.constant 0 : i32
        %dma_wait3A_479 = arith.constant 0 : i32
        %dma_wait3A_480 = arith.constant 0 : i32
        %dma_wait3A_481 = tpu.memref_slice %dma_wait3A_476[%dma_wait3A_477, %dma_wait3A_478, %dma_wait3A_479, %dma_wait3A_480] : memref<2x8x8x129xf32, #tpu.memory_space<vmem>> -> memref<2x8x8x128xf32, #tpu.memory_space<vmem>>
        tpu.wait_dma2 semaphore(%arg10 : memref<!tpu.dma_semaphore, #tpu.memory_space<semaphore_mem>>) src(%dma_wait3A_481 : memref<2x8x8x128xf32, #tpu.memory_space<vmem>>) dst(%dma_wait3A_470 : memref<2x8x8x128xf32, #tpu.memory_space<hbm>>)
        %add3A_482 = arith.constant 1 : i32
        %add3A_483 = arith.addi %add3A_388, %add3A_482 : i32
        %dma_start3A_484 = arith.constant 0 : i32
        %dma_start3A_485 = arith.constant 0 : i32
        %dma_start3A_486 = tpu.memref_slice %arg6[%scan3A_240, %dma_start3A_484, %dma_start3A_485] : memref<2x256x64xf32, #tpu.memory_space<vmem>> -> memref<1x256x64xf32, #tpu.memory_space<vmem>>
        %dma_start3A_487 = tpu.memref_squeeze %dma_start3A_486 : memref<1x256x64xf32, #tpu.memory_space<vmem>> -> memref<256x64xf32, #tpu.memory_space<vmem>>
        %dma_start3A_488 = arith.constant 0 : i32
        %dma_start3A_489 = tpu.memref_slice %arg5[%add3A_483, %dma_start3A_488] : memref<100x256xi32, #tpu.memory_space<vmem>> -> memref<1x256xi32, #tpu.memory_space<vmem>>
        %dma_start3A_490 = tpu.memref_squeeze %dma_start3A_489 : memref<1x256xi32, #tpu.memory_space<vmem>> -> memref<256xi32, #tpu.memory_space<vmem>>
        %dma_start3A_491 = arith.constant 0 : i32
        %dma_start3A_492 = arith.constant 0 : i32
        %dma_start3A_493 = tpu.memref_slice %arg3[%dma_start3A_491, %dma_start3A_492] : memref<1000000x64xf32, #tpu.memory_space<hbm>> -> memref<1000000x64xf32, #tpu.memory_space<hbm>>
        tpu.enqueue_indirect_dma source(%dma_start3A_493 : memref<1000000x64xf32, #tpu.memory_space<hbm>>) target(%dma_start3A_487 : memref<256x64xf32, #tpu.memory_space<vmem>>) offsets(%dma_start3A_490 : memref<256xi32, #tpu.memory_space<vmem>>) semaphore(%arg8 : memref<!tpu.dma_semaphore, #tpu.memory_space<semaphore_mem>>)
      } else {
      }
      %dma_wait3A_396 = arith.constant 0 : i32
      %dma_wait3A_397 = arith.constant 0 : i32
      %dma_wait3A_398 = tpu.memref_slice %arg6[%scan3A_239, %dma_wait3A_396, %dma_wait3A_397] : memref<2x256x64xf32, #tpu.memory_space<vmem>> -> memref<1x256x64xf32, #tpu.memory_space<vmem>>
      %dma_wait3A_399 = tpu.memref_squeeze %dma_wait3A_398 : memref<1x256x64xf32, #tpu.memory_space<vmem>> -> memref<256x64xf32, #tpu.memory_space<vmem>>
      %dma_wait3A_400 = arith.constant 0 : i32
      %dma_wait3A_401 = tpu.memref_slice %arg5[%add3A_388, %dma_wait3A_400] : memref<100x256xi32, #tpu.memory_space<vmem>> -> memref<1x256xi32, #tpu.memory_space<vmem>>
      %dma_wait3A_402 = tpu.memref_squeeze %dma_wait3A_401 : memref<1x256xi32, #tpu.memory_space<vmem>> -> memref<256xi32, #tpu.memory_space<vmem>>
      %dma_wait3A_403 = arith.constant 0 : i32
      %dma_wait3A_404 = arith.constant 0 : i32
      %dma_wait3A_405 = tpu.memref_slice %arg3[%dma_wait3A_403, %dma_wait3A_404] : memref<1000000x64xf32, #tpu.memory_space<hbm>> -> memref<1000000x64xf32, #tpu.memory_space<hbm>>
      tpu.wait_indirect_dma semaphore(%arg9 : memref<!tpu.dma_semaphore, #tpu.memory_space<semaphore_mem>>) src(%dma_wait3A_405 : memref<1000000x64xf32, #tpu.memory_space<hbm>>) dst(%dma_wait3A_399 : memref<256x64xf32, #tpu.memory_space<vmem>>)
      %scan3A_406 = arith.constant 0 : i32
      %scan3A_407 = arith.constant 0 : i32
      %scan3A_408 = arith.constant 128 : i32
      %scan3A_409 = arith.addi %scan3A_407, %scan3A_408 : i32
      %scan3A_410 = arith.constant 2 : i32
      scf.for %scan3A_446 = %scan3A_407 to %scan3A_409 step %scan3A_410  : i32 {
        %add3A_447 = arith.constant 0 : i32
        %add3A_448 = vector.broadcast %add3A_447 : i32 to vector<16xi32>
        %add3A_449 = arith.addi %broadcast_in_dim3A_1, %add3A_448 : vector<16xi32>
        %add3A_450 = vector.broadcast %scan3A_446 : i32 to vector<16xi32>
        %add3A_451 = arith.addi %broadcast_in_dim3A_1, %add3A_450 : vector<16xi32>
        %add3A_452 = arith.constant 0 : i32
        %add3A_453 = arith.addi %add3A_452, %scan3A_446 : i32
        %get3A = arith.constant 0 : i32
        %get3A_454 = arith.constant 0 : i32
        %get3A_455 = tpu.memref_slice %arg6[%scan3A_239, %get3A, %get3A_454] : memref<2x256x64xf32, #tpu.memory_space<vmem>> -> memref<1x256x64xf32, #tpu.memory_space<vmem>>
        %get3A_456 = tpu.memref_squeeze %get3A_455 : memref<1x256x64xf32, #tpu.memory_space<vmem>> -> memref<256x64xf32, #tpu.memory_space<vmem>>
        %get3A_457 = arith.index_cast %add3A_453 : i32 to index
        %get3A_458 = arith.constant 0 : index
        %get3A_459 = tpu.vector_load %get3A_456[%get3A_457, %get3A_458] {strides = array<i32>} : memref<256x64xf32, #tpu.memory_space<vmem>>, vector<16xf32>,
        %mul3A_460 = arith.constant 8.000000e+00 : f32
        %mul3A_461 = vector.broadcast %mul3A_460 : f32 to vector<16xf32>
        %mul3A_462 = arith.mulf %get3A_459, %mul3A_461 : vector<16xf32>
        %scatter3A = arith.constant 0 : i32
        %scatter3A_463 = arith.constant 0 : i32
        %scatter3A_464 = arith.constant 0 : i32
        %scatter3A_465 = arith.constant 0 : i32
        %scatter3A_466 = tpu.memref_slice %arg7[%scan3A, %scatter3A, %scatter3A_463, %scatter3A_464, %scatter3A_465] : memref<2x2x8x8x129xf32, #tpu.memory_space<vmem>> -> memref<1x2x8x8x129xf32, #tpu.memory_space<vmem>>
        %scatter3A_467 = tpu.memref_squeeze %scatter3A_466 : memref<1x2x8x8x129xf32, #tpu.memory_space<vmem>> -> memref<2x8x8x129xf32, #tpu.memory_space<vmem>>
        tpu.vector_store_idx %scatter3A_467[%add3A_449, %select_n3A, %select_n3A_50, %add3A_451], %mul3A_462 : memref<2x8x8x129xf32, #tpu.memory_space<vmem>>[vector<16xi32>, vector<16xi32>, vector<16xi32>, vector<16xi32>], vector<16xf32>,
        %add3A_468 = arith.constant 0 : i32
        %add3A_469 = arith.addi %add3A_468, %scan3A_446 : i32
        %get3A_470 = arith.constant 0 : i32
        %get3A_471 = arith.constant 0 : i32
        %get3A_472 = tpu.memref_slice %arg6[%scan3A_239, %get3A_470, %get3A_471] : memref<2x256x64xf32, #tpu.memory_space<vmem>> -> memref<1x256x64xf32, #tpu.memory_space<vmem>>
        %get3A_473 = tpu.memref_squeeze %get3A_472 : memref<1x256x64xf32, #tpu.memory_space<vmem>> -> memref<256x64xf32, #tpu.memory_space<vmem>>
        %get3A_474 = arith.index_cast %add3A_469 : i32 to index
        %get3A_475 = arith.constant 16 : index
        %get3A_476 = tpu.vector_load %get3A_473[%get3A_474, %get3A_475] {strides = array<i32>} : memref<256x64xf32, #tpu.memory_space<vmem>>, vector<16xf32>,
        %mul3A_477 = arith.constant 8.000000e+00 : f32
        %mul3A_478 = vector.broadcast %mul3A_477 : f32 to vector<16xf32>
        %mul3A_479 = arith.mulf %get3A_476, %mul3A_478 : vector<16xf32>
        %scatter3A_480 = arith.constant 0 : i32
        %scatter3A_481 = arith.constant 0 : i32
        %scatter3A_482 = arith.constant 0 : i32
        %scatter3A_483 = arith.constant 0 : i32
        %scatter3A_484 = tpu.memref_slice %arg7[%scan3A, %scatter3A_480, %scatter3A_481, %scatter3A_482, %scatter3A_483] : memref<2x2x8x8x129xf32, #tpu.memory_space<vmem>> -> memref<1x2x8x8x129xf32, #tpu.memory_space<vmem>>
        %scatter3A_485 = tpu.memref_squeeze %scatter3A_484 : memref<1x2x8x8x129xf32, #tpu.memory_space<vmem>> -> memref<2x8x8x129xf32, #tpu.memory_space<vmem>>
        tpu.vector_store_idx %scatter3A_485[%add3A_449, %select_n3A_84, %select_n3A_109, %add3A_451], %mul3A_479 : memref<2x8x8x129xf32, #tpu.memory_space<vmem>>[vector<16xi32>, vector<16xi32>, vector<16xi32>, vector<16xi32>], vector<16xf32>,
        %add3A_486 = arith.constant 0 : i32
        %add3A_487 = arith.addi %add3A_486, %scan3A_446 : i32
        %get3A_488 = arith.constant 0 : i32
        %get3A_489 = arith.constant 0 : i32
        %get3A_490 = tpu.memref_slice %arg6[%scan3A_239, %get3A_488, %get3A_489] : memref<2x256x64xf32, #tpu.memory_space<vmem>> -> memref<1x256x64xf32, #tpu.memory_space<vmem>>
        %get3A_491 = tpu.memref_squeeze %get3A_490 : memref<1x256x64xf32, #tpu.memory_space<vmem>> -> memref<256x64xf32, #tpu.memory_space<vmem>>
        %get3A_492 = arith.index_cast %add3A_487 : i32 to index
        %get3A_493 = arith.constant 32 : index
        %get3A_494 = tpu.vector_load %get3A_491[%get3A_492, %get3A_493] {strides = array<i32>} : memref<256x64xf32, #tpu.memory_space<vmem>>, vector<16xf32>,
        %mul3A_495 = arith.constant 8.000000e+00 : f32
        %mul3A_496 = vector.broadcast %mul3A_495 : f32 to vector<16xf32>
        %mul3A_497 = arith.mulf %get3A_494, %mul3A_496 : vector<16xf32>
        %scatter3A_498 = arith.constant 0 : i32
        %scatter3A_499 = arith.constant 0 : i32
        %scatter3A_500 = arith.constant 0 : i32
        %scatter3A_501 = arith.constant 0 : i32
        %scatter3A_502 = tpu.memref_slice %arg7[%scan3A, %scatter3A_498, %scatter3A_499, %scatter3A_500, %scatter3A_501] : memref<2x2x8x8x129xf32, #tpu.memory_space<vmem>> -> memref<1x2x8x8x129xf32, #tpu.memory_space<vmem>>
        %scatter3A_503 = tpu.memref_squeeze %scatter3A_502 : memref<1x2x8x8x129xf32, #tpu.memory_space<vmem>> -> memref<2x8x8x129xf32, #tpu.memory_space<vmem>>
        tpu.vector_store_idx %scatter3A_503[%add3A_449, %select_n3A_143, %select_n3A_168, %add3A_451], %mul3A_497 : memref<2x8x8x129xf32, #tpu.memory_space<vmem>>[vector<16xi32>, vector<16xi32>, vector<16xi32>, vector<16xi32>], vector<16xf32>,
        %add3A_504 = arith.constant 0 : i32
        %add3A_505 = arith.addi %add3A_504, %scan3A_446 : i32
        %get3A_506 = arith.constant 0 : i32
        %get3A_507 = arith.constant 0 : i32
        %get3A_508 = tpu.memref_slice %arg6[%scan3A_239, %get3A_506, %get3A_507] : memref<2x256x64xf32, #tpu.memory_space<vmem>> -> memref<1x256x64xf32, #tpu.memory_space<vmem>>
        %get3A_509 = tpu.memref_squeeze %get3A_508 : memref<1x256x64xf32, #tpu.memory_space<vmem>> -> memref<256x64xf32, #tpu.memory_space<vmem>>
        %get3A_510 = arith.index_cast %add3A_505 : i32 to index
        %get3A_511 = arith.constant 48 : index
        %get3A_512 = tpu.vector_load %get3A_509[%get3A_510, %get3A_511] {strides = array<i32>} : memref<256x64xf32, #tpu.memory_space<vmem>>, vector<16xf32>,
        %mul3A_513 = arith.constant 8.000000e+00 : f32
        %mul3A_514 = vector.broadcast %mul3A_513 : f32 to vector<16xf32>
        %mul3A_515 = arith.mulf %get3A_512, %mul3A_514 : vector<16xf32>
        %scatter3A_516 = arith.constant 0 : i32
        %scatter3A_517 = arith.constant 0 : i32
        %scatter3A_518 = arith.constant 0 : i32
        %scatter3A_519 = arith.constant 0 : i32
        %scatter3A_520 = tpu.memref_slice %arg7[%scan3A, %scatter3A_516, %scatter3A_517, %scatter3A_518, %scatter3A_519] : memref<2x2x8x8x129xf32, #tpu.memory_space<vmem>> -> memref<1x2x8x8x129xf32, #tpu.memory_space<vmem>>
        %scatter3A_521 = tpu.memref_squeeze %scatter3A_520 : memref<1x2x8x8x129xf32, #tpu.memory_space<vmem>> -> memref<2x8x8x129xf32, #tpu.memory_space<vmem>>
        tpu.vector_store_idx %scatter3A_521[%add3A_449, %select_n3A_202, %select_n3A_227, %add3A_451], %mul3A_515 : memref<2x8x8x129xf32, #tpu.memory_space<vmem>>[vector<16xi32>, vector<16xi32>, vector<16xi32>, vector<16xi32>], vector<16xf32>,
        %add3A_522 = arith.constant 1 : i32
        %add3A_523 = vector.broadcast %add3A_522 : i32 to vector<16xi32>
        %add3A_524 = arith.addi %broadcast_in_dim3A_1, %add3A_523 : vector<16xi32>
        %add3A_525 = vector.broadcast %scan3A_446 : i32 to vector<16xi32>
        %add3A_526 = arith.addi %broadcast_in_dim3A_1, %add3A_525 : vector<16xi32>
        %add3A_527 = arith.constant 128 : i32
        %add3A_528 = arith.addi %add3A_527, %scan3A_446 : i32
        %get3A_529 = arith.constant 0 : i32
        %get3A_530 = arith.constant 0 : i32
        %get3A_531 = tpu.memref_slice %arg6[%scan3A_239, %get3A_529, %get3A_530] : memref<2x256x64xf32, #tpu.memory_space<vmem>> -> memref<1x256x64xf32, #tpu.memory_space<vmem>>
        %get3A_532 = tpu.memref_squeeze %get3A_531 : memref<1x256x64xf32, #tpu.memory_space<vmem>> -> memref<256x64xf32, #tpu.memory_space<vmem>>
        %get3A_533 = arith.index_cast %add3A_528 : i32 to index
        %get3A_534 = arith.constant 0 : index
        %get3A_535 = tpu.vector_load %get3A_532[%get3A_533, %get3A_534] {strides = array<i32>} : memref<256x64xf32, #tpu.memory_space<vmem>>, vector<16xf32>,
        %mul3A_536 = arith.constant 8.000000e+00 : f32
        %mul3A_537 = vector.broadcast %mul3A_536 : f32 to vector<16xf32>
        %mul3A_538 = arith.mulf %get3A_535, %mul3A_537 : vector<16xf32>
        %scatter3A_539 = arith.constant 0 : i32
        %scatter3A_540 = arith.constant 0 : i32
        %scatter3A_541 = arith.constant 0 : i32
        %scatter3A_542 = arith.constant 0 : i32
        %scatter3A_543 = tpu.memref_slice %arg7[%scan3A, %scatter3A_539, %scatter3A_540, %scatter3A_541, %scatter3A_542] : memref<2x2x8x8x129xf32, #tpu.memory_space<vmem>> -> memref<1x2x8x8x129xf32, #tpu.memory_space<vmem>>
        %scatter3A_544 = tpu.memref_squeeze %scatter3A_543 : memref<1x2x8x8x129xf32, #tpu.memory_space<vmem>> -> memref<2x8x8x129xf32, #tpu.memory_space<vmem>>
        tpu.vector_store_idx %scatter3A_544[%add3A_524, %select_n3A, %select_n3A_50, %add3A_526], %mul3A_538 : memref<2x8x8x129xf32, #tpu.memory_space<vmem>>[vector<16xi32>, vector<16xi32>, vector<16xi32>, vector<16xi32>], vector<16xf32>,
        %add3A_545 = arith.constant 128 : i32
        %add3A_546 = arith.addi %add3A_545, %scan3A_446 : i32
        %get3A_547 = arith.constant 0 : i32
        %get3A_548 = arith.constant 0 : i32
        %get3A_549 = tpu.memref_slice %arg6[%scan3A_239, %get3A_547, %get3A_548] : memref<2x256x64xf32, #tpu.memory_space<vmem>> -> memref<1x256x64xf32, #tpu.memory_space<vmem>>
        %get3A_550 = tpu.memref_squeeze %get3A_549 : memref<1x256x64xf32, #tpu.memory_space<vmem>> -> memref<256x64xf32, #tpu.memory_space<vmem>>
        %get3A_551 = arith.index_cast %add3A_546 : i32 to index
        %get3A_552 = arith.constant 16 : index
        %get3A_553 = tpu.vector_load %get3A_550[%get3A_551, %get3A_552] {strides = array<i32>} : memref<256x64xf32, #tpu.memory_space<vmem>>, vector<16xf32>,
        %mul3A_554 = arith.constant 8.000000e+00 : f32
        %mul3A_555 = vector.broadcast %mul3A_554 : f32 to vector<16xf32>
        %mul3A_556 = arith.mulf %get3A_553, %mul3A_555 : vector<16xf32>
        %scatter3A_557 = arith.constant 0 : i32
        %scatter3A_558 = arith.constant 0 : i32
        %scatter3A_559 = arith.constant 0 : i32
        %scatter3A_560 = arith.constant 0 : i32
        %scatter3A_561 = tpu.memref_slice %arg7[%scan3A, %scatter3A_557, %scatter3A_558, %scatter3A_559, %scatter3A_560] : memref<2x2x8x8x129xf32, #tpu.memory_space<vmem>> -> memref<1x2x8x8x129xf32, #tpu.memory_space<vmem>>
        %scatter3A_562 = tpu.memref_squeeze %scatter3A_561 : memref<1x2x8x8x129xf32, #tpu.memory_space<vmem>> -> memref<2x8x8x129xf32, #tpu.memory_space<vmem>>
        tpu.vector_store_idx %scatter3A_562[%add3A_524, %select_n3A_84, %select_n3A_109, %add3A_526], %mul3A_556 : memref<2x8x8x129xf32, #tpu.memory_space<vmem>>[vector<16xi32>, vector<16xi32>, vector<16xi32>, vector<16xi32>], vector<16xf32>,
        %add3A_563 = arith.constant 128 : i32
        %add3A_564 = arith.addi %add3A_563, %scan3A_446 : i32
        %get3A_565 = arith.constant 0 : i32
        %get3A_566 = arith.constant 0 : i32
        %get3A_567 = tpu.memref_slice %arg6[%scan3A_239, %get3A_565, %get3A_566] : memref<2x256x64xf32, #tpu.memory_space<vmem>> -> memref<1x256x64xf32, #tpu.memory_space<vmem>>
        %get3A_568 = tpu.memref_squeeze %get3A_567 : memref<1x256x64xf32, #tpu.memory_space<vmem>> -> memref<256x64xf32, #tpu.memory_space<vmem>>
        %get3A_569 = arith.index_cast %add3A_564 : i32 to index
        %get3A_570 = arith.constant 32 : index
        %get3A_571 = tpu.vector_load %get3A_568[%get3A_569, %get3A_570] {strides = array<i32>} : memref<256x64xf32, #tpu.memory_space<vmem>>, vector<16xf32>,
        %mul3A_572 = arith.constant 8.000000e+00 : f32
        %mul3A_573 = vector.broadcast %mul3A_572 : f32 to vector<16xf32>
        %mul3A_574 = arith.mulf %get3A_571, %mul3A_573 : vector<16xf32>
        %scatter3A_575 = arith.constant 0 : i32
        %scatter3A_576 = arith.constant 0 : i32
        %scatter3A_577 = arith.constant 0 : i32
        %scatter3A_578 = arith.constant 0 : i32
        %scatter3A_579 = tpu.memref_slice %arg7[%scan3A, %scatter3A_575, %scatter3A_576, %scatter3A_577, %scatter3A_578] : memref<2x2x8x8x129xf32, #tpu.memory_space<vmem>> -> memref<1x2x8x8x129xf32, #tpu.memory_space<vmem>>
        %scatter3A_580 = tpu.memref_squeeze %scatter3A_579 : memref<1x2x8x8x129xf32, #tpu.memory_space<vmem>> -> memref<2x8x8x129xf32, #tpu.memory_space<vmem>>
        tpu.vector_store_idx %scatter3A_580[%add3A_524, %select_n3A_143, %select_n3A_168, %add3A_526], %mul3A_574 : memref<2x8x8x129xf32, #tpu.memory_space<vmem>>[vector<16xi32>, vector<16xi32>, vector<16xi32>, vector<16xi32>], vector<16xf32>,
        %add3A_581 = arith.constant 128 : i32
        %add3A_582 = arith.addi %add3A_581, %scan3A_446 : i32
        %get3A_583 = arith.constant 0 : i32
        %get3A_584 = arith.constant 0 : i32
        %get3A_585 = tpu.memref_slice %arg6[%scan3A_239, %get3A_583, %get3A_584] : memref<2x256x64xf32, #tpu.memory_space<vmem>> -> memref<1x256x64xf32, #tpu.memory_space<vmem>>
        %get3A_586 = tpu.memref_squeeze %get3A_585 : memref<1x256x64xf32, #tpu.memory_space<vmem>> -> memref<256x64xf32, #tpu.memory_space<vmem>>
        %get3A_587 = arith.index_cast %add3A_582 : i32 to index
        %get3A_588 = arith.constant 48 : index
        %get3A_589 = tpu.vector_load %get3A_586[%get3A_587, %get3A_588] {strides = array<i32>} : memref<256x64xf32, #tpu.memory_space<vmem>>, vector<16xf32>,
        %mul3A_590 = arith.constant 8.000000e+00 : f32
        %mul3A_591 = vector.broadcast %mul3A_590 : f32 to vector<16xf32>
        %mul3A_592 = arith.mulf %get3A_589, %mul3A_591 : vector<16xf32>
        %scatter3A_593 = arith.constant 0 : i32
        %scatter3A_594 = arith.constant 0 : i32
        %scatter3A_595 = arith.constant 0 : i32
        %scatter3A_596 = arith.constant 0 : i32
        %scatter3A_597 = tpu.memref_slice %arg7[%scan3A, %scatter3A_593, %scatter3A_594, %scatter3A_595, %scatter3A_596] : memref<2x2x8x8x129xf32, #tpu.memory_space<vmem>> -> memref<1x2x8x8x129xf32, #tpu.memory_space<vmem>>
        %scatter3A_598 = tpu.memref_squeeze %scatter3A_597 : memref<1x2x8x8x129xf32, #tpu.memory_space<vmem>> -> memref<2x8x8x129xf32, #tpu.memory_space<vmem>>
        tpu.vector_store_idx %scatter3A_598[%add3A_524, %select_n3A_202, %select_n3A_227, %add3A_526], %mul3A_592 : memref<2x8x8x129xf32, #tpu.memory_space<vmem>>[vector<16xi32>, vector<16xi32>, vector<16xi32>, vector<16xi32>], vector<16xf32>,
        %scan3A_599 = arith.constant 1 : i32
        %scan3A_600 = arith.addi %scan3A_446, %scan3A_599 : i32
        %add3A_601 = arith.constant 0 : i32
        %add3A_602 = vector.broadcast %add3A_601 : i32 to vector<16xi32>
        %add3A_603 = arith.addi %broadcast_in_dim3A_1, %add3A_602 : vector<16xi32>
        %add3A_604 = vector.broadcast %scan3A_600 : i32 to vector<16xi32>
        %add3A_605 = arith.addi %broadcast_in_dim3A_1, %add3A_604 : vector<16xi32>
        %add3A_606 = arith.constant 0 : i32
        %add3A_607 = arith.addi %add3A_606, %scan3A_600 : i32
        %get3A_608 = arith.constant 0 : i32
        %get3A_609 = arith.constant 0 : i32
        %get3A_610 = tpu.memref_slice %arg6[%scan3A_239, %get3A_608, %get3A_609] : memref<2x256x64xf32, #tpu.memory_space<vmem>> -> memref<1x256x64xf32, #tpu.memory_space<vmem>>
        %get3A_611 = tpu.memref_squeeze %get3A_610 : memref<1x256x64xf32, #tpu.memory_space<vmem>> -> memref<256x64xf32, #tpu.memory_space<vmem>>
        %get3A_612 = arith.index_cast %add3A_607 : i32 to index
        %get3A_613 = arith.constant 0 : index
        %get3A_614 = tpu.vector_load %get3A_611[%get3A_612, %get3A_613] {strides = array<i32>} : memref<256x64xf32, #tpu.memory_space<vmem>>, vector<16xf32>,
        %mul3A_615 = arith.constant 8.000000e+00 : f32
        %mul3A_616 = vector.broadcast %mul3A_615 : f32 to vector<16xf32>
        %mul3A_617 = arith.mulf %get3A_614, %mul3A_616 : vector<16xf32>
        %scatter3A_618 = arith.constant 0 : i32
        %scatter3A_619 = arith.constant 0 : i32
        %scatter3A_620 = arith.constant 0 : i32
        %scatter3A_621 = arith.constant 0 : i32
        %scatter3A_622 = tpu.memref_slice %arg7[%scan3A, %scatter3A_618, %scatter3A_619, %scatter3A_620, %scatter3A_621] : memref<2x2x8x8x129xf32, #tpu.memory_space<vmem>> -> memref<1x2x8x8x129xf32, #tpu.memory_space<vmem>>
        %scatter3A_623 = tpu.memref_squeeze %scatter3A_622 : memref<1x2x8x8x129xf32, #tpu.memory_space<vmem>> -> memref<2x8x8x129xf32, #tpu.memory_space<vmem>>
        tpu.vector_store_idx %scatter3A_623[%add3A_603, %select_n3A, %select_n3A_50, %add3A_605], %mul3A_617 : memref<2x8x8x129xf32, #tpu.memory_space<vmem>>[vector<16xi32>, vector<16xi32>, vector<16xi32>, vector<16xi32>], vector<16xf32>,
        %add3A_624 = arith.constant 0 : i32
        %add3A_625 = arith.addi %add3A_624, %scan3A_600 : i32
        %get3A_626 = arith.constant 0 : i32
        %get3A_627 = arith.constant 0 : i32
        %get3A_628 = tpu.memref_slice %arg6[%scan3A_239, %get3A_626, %get3A_627] : memref<2x256x64xf32, #tpu.memory_space<vmem>> -> memref<1x256x64xf32, #tpu.memory_space<vmem>>
        %get3A_629 = tpu.memref_squeeze %get3A_628 : memref<1x256x64xf32, #tpu.memory_space<vmem>> -> memref<256x64xf32, #tpu.memory_space<vmem>>
        %get3A_630 = arith.index_cast %add3A_625 : i32 to index
        %get3A_631 = arith.constant 16 : index
        %get3A_632 = tpu.vector_load %get3A_629[%get3A_630, %get3A_631] {strides = array<i32>} : memref<256x64xf32, #tpu.memory_space<vmem>>, vector<16xf32>,
        %mul3A_633 = arith.constant 8.000000e+00 : f32
        %mul3A_634 = vector.broadcast %mul3A_633 : f32 to vector<16xf32>
        %mul3A_635 = arith.mulf %get3A_632, %mul3A_634 : vector<16xf32>
        %scatter3A_636 = arith.constant 0 : i32
        %scatter3A_637 = arith.constant 0 : i32
        %scatter3A_638 = arith.constant 0 : i32
        %scatter3A_639 = arith.constant 0 : i32
        %scatter3A_640 = tpu.memref_slice %arg7[%scan3A, %scatter3A_636, %scatter3A_637, %scatter3A_638, %scatter3A_639] : memref<2x2x8x8x129xf32, #tpu.memory_space<vmem>> -> memref<1x2x8x8x129xf32, #tpu.memory_space<vmem>>
        %scatter3A_641 = tpu.memref_squeeze %scatter3A_640 : memref<1x2x8x8x129xf32, #tpu.memory_space<vmem>> -> memref<2x8x8x129xf32, #tpu.memory_space<vmem>>
        tpu.vector_store_idx %scatter3A_641[%add3A_603, %select_n3A_84, %select_n3A_109, %add3A_605], %mul3A_635 : memref<2x8x8x129xf32, #tpu.memory_space<vmem>>[vector<16xi32>, vector<16xi32>, vector<16xi32>, vector<16xi32>], vector<16xf32>,
        %add3A_642 = arith.constant 0 : i32
        %add3A_643 = arith.addi %add3A_642, %scan3A_600 : i32
        %get3A_644 = arith.constant 0 : i32
        %get3A_645 = arith.constant 0 : i32
        %get3A_646 = tpu.memref_slice %arg6[%scan3A_239, %get3A_644, %get3A_645] : memref<2x256x64xf32, #tpu.memory_space<vmem>> -> memref<1x256x64xf32, #tpu.memory_space<vmem>>
        %get3A_647 = tpu.memref_squeeze %get3A_646 : memref<1x256x64xf32, #tpu.memory_space<vmem>> -> memref<256x64xf32, #tpu.memory_space<vmem>>
        %get3A_648 = arith.index_cast %add3A_643 : i32 to index
        %get3A_649 = arith.constant 32 : index
        %get3A_650 = tpu.vector_load %get3A_647[%get3A_648, %get3A_649] {strides = array<i32>} : memref<256x64xf32, #tpu.memory_space<vmem>>, vector<16xf32>,
        %mul3A_651 = arith.constant 8.000000e+00 : f32
        %mul3A_652 = vector.broadcast %mul3A_651 : f32 to vector<16xf32>
        %mul3A_653 = arith.mulf %get3A_650, %mul3A_652 : vector<16xf32>
        %scatter3A_654 = arith.constant 0 : i32
        %scatter3A_655 = arith.constant 0 : i32
        %scatter3A_656 = arith.constant 0 : i32
        %scatter3A_657 = arith.constant 0 : i32
        %scatter3A_658 = tpu.memref_slice %arg7[%scan3A, %scatter3A_654, %scatter3A_655, %scatter3A_656, %scatter3A_657] : memref<2x2x8x8x129xf32, #tpu.memory_space<vmem>> -> memref<1x2x8x8x129xf32, #tpu.memory_space<vmem>>
        %scatter3A_659 = tpu.memref_squeeze %scatter3A_658 : memref<1x2x8x8x129xf32, #tpu.memory_space<vmem>> -> memref<2x8x8x129xf32, #tpu.memory_space<vmem>>
        tpu.vector_store_idx %scatter3A_659[%add3A_603, %select_n3A_143, %select_n3A_168, %add3A_605], %mul3A_653 : memref<2x8x8x129xf32, #tpu.memory_space<vmem>>[vector<16xi32>, vector<16xi32>, vector<16xi32>, vector<16xi32>], vector<16xf32>,
        %add3A_660 = arith.constant 0 : i32
        %add3A_661 = arith.addi %add3A_660, %scan3A_600 : i32
        %get3A_662 = arith.constant 0 : i32
        %get3A_663 = arith.constant 0 : i32
        %get3A_664 = tpu.memref_slice %arg6[%scan3A_239, %get3A_662, %get3A_663] : memref<2x256x64xf32, #tpu.memory_space<vmem>> -> memref<1x256x64xf32, #tpu.memory_space<vmem>>
        %get3A_665 = tpu.memref_squeeze %get3A_664 : memref<1x256x64xf32, #tpu.memory_space<vmem>> -> memref<256x64xf32, #tpu.memory_space<vmem>>
        %get3A_666 = arith.index_cast %add3A_661 : i32 to index
        %get3A_667 = arith.constant 48 : index
        %get3A_668 = tpu.vector_load %get3A_665[%get3A_666, %get3A_667] {strides = array<i32>} : memref<256x64xf32, #tpu.memory_space<vmem>>, vector<16xf32>,
        %mul3A_669 = arith.constant 8.000000e+00 : f32
        %mul3A_670 = vector.broadcast %mul3A_669 : f32 to vector<16xf32>
        %mul3A_671 = arith.mulf %get3A_668, %mul3A_670 : vector<16xf32>
        %scatter3A_672 = arith.constant 0 : i32
        %scatter3A_673 = arith.constant 0 : i32
        %scatter3A_674 = arith.constant 0 : i32
        %scatter3A_675 = arith.constant 0 : i32
        %scatter3A_676 = tpu.memref_slice %arg7[%scan3A, %scatter3A_672, %scatter3A_673, %scatter3A_674, %scatter3A_675] : memref<2x2x8x8x129xf32, #tpu.memory_space<vmem>> -> memref<1x2x8x8x129xf32, #tpu.memory_space<vmem>>
        %scatter3A_677 = tpu.memref_squeeze %scatter3A_676 : memref<1x2x8x8x129xf32, #tpu.memory_space<vmem>> -> memref<2x8x8x129xf32, #tpu.memory_space<vmem>>
        tpu.vector_store_idx %scatter3A_677[%add3A_603, %select_n3A_202, %select_n3A_227, %add3A_605], %mul3A_671 : memref<2x8x8x129xf32, #tpu.memory_space<vmem>>[vector<16xi32>, vector<16xi32>, vector<16xi32>, vector<16xi32>], vector<16xf32>,
        %add3A_678 = arith.constant 1 : i32
        %add3A_679 = vector.broadcast %add3A_678 : i32 to vector<16xi32>
        %add3A_680 = arith.addi %broadcast_in_dim3A_1, %add3A_679 : vector<16xi32>
        %add3A_681 = vector.broadcast %scan3A_600 : i32 to vector<16xi32>
        %add3A_682 = arith.addi %broadcast_in_dim3A_1, %add3A_681 : vector<16xi32>
        %add3A_683 = arith.constant 128 : i32
        %add3A_684 = arith.addi %add3A_683, %scan3A_600 : i32
        %get3A_685 = arith.constant 0 : i32
        %get3A_686 = arith.constant 0 : i32
        %get3A_687 = tpu.memref_slice %arg6[%scan3A_239, %get3A_685, %get3A_686] : memref<2x256x64xf32, #tpu.memory_space<vmem>> -> memref<1x256x64xf32, #tpu.memory_space<vmem>>
        %get3A_688 = tpu.memref_squeeze %get3A_687 : memref<1x256x64xf32, #tpu.memory_space<vmem>> -> memref<256x64xf32, #tpu.memory_space<vmem>>
        %get3A_689 = arith.index_cast %add3A_684 : i32 to index
        %get3A_690 = arith.constant 0 : index
        %get3A_691 = tpu.vector_load %get3A_688[%get3A_689, %get3A_690] {strides = array<i32>} : memref<256x64xf32, #tpu.memory_space<vmem>>, vector<16xf32>,
        %mul3A_692 = arith.constant 8.000000e+00 : f32
        %mul3A_693 = vector.broadcast %mul3A_692 : f32 to vector<16xf32>
        %mul3A_694 = arith.mulf %get3A_691, %mul3A_693 : vector<16xf32>
        %scatter3A_695 = arith.constant 0 : i32
        %scatter3A_696 = arith.constant 0 : i32
        %scatter3A_697 = arith.constant 0 : i32
        %scatter3A_698 = arith.constant 0 : i32
        %scatter3A_699 = tpu.memref_slice %arg7[%scan3A, %scatter3A_695, %scatter3A_696, %scatter3A_697, %scatter3A_698] : memref<2x2x8x8x129xf32, #tpu.memory_space<vmem>> -> memref<1x2x8x8x129xf32, #tpu.memory_space<vmem>>
        %scatter3A_700 = tpu.memref_squeeze %scatter3A_699 : memref<1x2x8x8x129xf32, #tpu.memory_space<vmem>> -> memref<2x8x8x129xf32, #tpu.memory_space<vmem>>
        tpu.vector_store_idx %scatter3A_700[%add3A_680, %select_n3A, %select_n3A_50, %add3A_682], %mul3A_694 : memref<2x8x8x129xf32, #tpu.memory_space<vmem>>[vector<16xi32>, vector<16xi32>, vector<16xi32>, vector<16xi32>], vector<16xf32>,
        %add3A_701 = arith.constant 128 : i32
        %add3A_702 = arith.addi %add3A_701, %scan3A_600 : i32
        %get3A_703 = arith.constant 0 : i32
        %get3A_704 = arith.constant 0 : i32
        %get3A_705 = tpu.memref_slice %arg6[%scan3A_239, %get3A_703, %get3A_704] : memref<2x256x64xf32, #tpu.memory_space<vmem>> -> memref<1x256x64xf32, #tpu.memory_space<vmem>>
        %get3A_706 = tpu.memref_squeeze %get3A_705 : memref<1x256x64xf32, #tpu.memory_space<vmem>> -> memref<256x64xf32, #tpu.memory_space<vmem>>
        %get3A_707 = arith.index_cast %add3A_702 : i32 to index
        %get3A_708 = arith.constant 16 : index
        %get3A_709 = tpu.vector_load %get3A_706[%get3A_707, %get3A_708] {strides = array<i32>} : memref<256x64xf32, #tpu.memory_space<vmem>>, vector<16xf32>,
        %mul3A_710 = arith.constant 8.000000e+00 : f32
        %mul3A_711 = vector.broadcast %mul3A_710 : f32 to vector<16xf32>
        %mul3A_712 = arith.mulf %get3A_709, %mul3A_711 : vector<16xf32>
        %scatter3A_713 = arith.constant 0 : i32
        %scatter3A_714 = arith.constant 0 : i32
        %scatter3A_715 = arith.constant 0 : i32
        %scatter3A_716 = arith.constant 0 : i32
        %scatter3A_717 = tpu.memref_slice %arg7[%scan3A, %scatter3A_713, %scatter3A_714, %scatter3A_715, %scatter3A_716] : memref<2x2x8x8x129xf32, #tpu.memory_space<vmem>> -> memref<1x2x8x8x129xf32, #tpu.memory_space<vmem>>
        %scatter3A_718 = tpu.memref_squeeze %scatter3A_717 : memref<1x2x8x8x129xf32, #tpu.memory_space<vmem>> -> memref<2x8x8x129xf32, #tpu.memory_space<vmem>>
        tpu.vector_store_idx %scatter3A_718[%add3A_680, %select_n3A_84, %select_n3A_109, %add3A_682], %mul3A_712 : memref<2x8x8x129xf32, #tpu.memory_space<vmem>>[vector<16xi32>, vector<16xi32>, vector<16xi32>, vector<16xi32>], vector<16xf32>,
        %add3A_719 = arith.constant 128 : i32
        %add3A_720 = arith.addi %add3A_719, %scan3A_600 : i32
        %get3A_721 = arith.constant 0 : i32
        %get3A_722 = arith.constant 0 : i32
        %get3A_723 = tpu.memref_slice %arg6[%scan3A_239, %get3A_721, %get3A_722] : memref<2x256x64xf32, #tpu.memory_space<vmem>> -> memref<1x256x64xf32, #tpu.memory_space<vmem>>
        %get3A_724 = tpu.memref_squeeze %get3A_723 : memref<1x256x64xf32, #tpu.memory_space<vmem>> -> memref<256x64xf32, #tpu.memory_space<vmem>>
        %get3A_725 = arith.index_cast %add3A_720 : i32 to index
        %get3A_726 = arith.constant 32 : index
        %get3A_727 = tpu.vector_load %get3A_724[%get3A_725, %get3A_726] {strides = array<i32>} : memref<256x64xf32, #tpu.memory_space<vmem>>, vector<16xf32>,
        %mul3A_728 = arith.constant 8.000000e+00 : f32
        %mul3A_729 = vector.broadcast %mul3A_728 : f32 to vector<16xf32>
        %mul3A_730 = arith.mulf %get3A_727, %mul3A_729 : vector<16xf32>
        %scatter3A_731 = arith.constant 0 : i32
        %scatter3A_732 = arith.constant 0 : i32
        %scatter3A_733 = arith.constant 0 : i32
        %scatter3A_734 = arith.constant 0 : i32
        %scatter3A_735 = tpu.memref_slice %arg7[%scan3A, %scatter3A_731, %scatter3A_732, %scatter3A_733, %scatter3A_734] : memref<2x2x8x8x129xf32, #tpu.memory_space<vmem>> -> memref<1x2x8x8x129xf32, #tpu.memory_space<vmem>>
        %scatter3A_736 = tpu.memref_squeeze %scatter3A_735 : memref<1x2x8x8x129xf32, #tpu.memory_space<vmem>> -> memref<2x8x8x129xf32, #tpu.memory_space<vmem>>
        tpu.vector_store_idx %scatter3A_736[%add3A_680, %select_n3A_143, %select_n3A_168, %add3A_682], %mul3A_730 : memref<2x8x8x129xf32, #tpu.memory_space<vmem>>[vector<16xi32>, vector<16xi32>, vector<16xi32>, vector<16xi32>], vector<16xf32>,
        %add3A_737 = arith.constant 128 : i32
        %add3A_738 = arith.addi %add3A_737, %scan3A_600 : i32
        %get3A_739 = arith.constant 0 : i32
        %get3A_740 = arith.constant 0 : i32
        %get3A_741 = tpu.memref_slice %arg6[%scan3A_239, %get3A_739, %get3A_740] : memref<2x256x64xf32, #tpu.memory_space<vmem>> -> memref<1x256x64xf32, #tpu.memory_space<vmem>>
        %get3A_742 = tpu.memref_squeeze %get3A_741 : memref<1x256x64xf32, #tpu.memory_space<vmem>> -> memref<256x64xf32, #tpu.memory_space<vmem>>
        %get3A_743 = arith.index_cast %add3A_738 : i32 to index
        %get3A_744 = arith.constant 48 : index
        %get3A_745 = tpu.vector_load %get3A_742[%get3A_743, %get3A_744] {strides = array<i32>} : memref<256x64xf32, #tpu.memory_space<vmem>>, vector<16xf32>,
        %mul3A_746 = arith.constant 8.000000e+00 : f32
        %mul3A_747 = vector.broadcast %mul3A_746 : f32 to vector<16xf32>
        %mul3A_748 = arith.mulf %get3A_745, %mul3A_747 : vector<16xf32>
        %scatter3A_749 = arith.constant 0 : i32
        %scatter3A_750 = arith.constant 0 : i32
        %scatter3A_751 = arith.constant 0 : i32
        %scatter3A_752 = arith.constant 0 : i32
        %scatter3A_753 = tpu.memref_slice %arg7[%scan3A, %scatter3A_749, %scatter3A_750, %scatter3A_751, %scatter3A_752] : memref<2x2x8x8x129xf32, #tpu.memory_space<vmem>> -> memref<1x2x8x8x129xf32, #tpu.memory_space<vmem>>
        %scatter3A_754 = tpu.memref_squeeze %scatter3A_753 : memref<1x2x8x8x129xf32, #tpu.memory_space<vmem>> -> memref<2x8x8x129xf32, #tpu.memory_space<vmem>>
        tpu.vector_store_idx %scatter3A_754[%add3A_680, %select_n3A_202, %select_n3A_227, %add3A_682], %mul3A_748 : memref<2x8x8x129xf32, #tpu.memory_space<vmem>>[vector<16xi32>, vector<16xi32>, vector<16xi32>, vector<16xi32>], vector<16xf32>,
      }
      %scan3A_411 = arith.constant 128 : i32
      %mul3A_412 = arith.constant 2 : i32
      %mul3A_413 = arith.muli %mul3A_412, %add3A_388 : i32
      %dma_start3A_414 = arith.constant 0 : i32
      %dma_start3A_415 = arith.constant 0 : i32
      %dma_start3A_416 = arith.constant 0 : i32
      %dma_start3A_417 = arith.constant 0 : i32
      %dma_start3A_418 = tpu.memref_slice %arg7[%scan3A, %dma_start3A_414, %dma_start3A_415, %dma_start3A_416, %dma_start3A_417] : memref<2x2x8x8x129xf32, #tpu.memory_space<vmem>> -> memref<1x2x8x8x129xf32, #tpu.memory_space<vmem>>
      %dma_start3A_419 = tpu.memref_squeeze %dma_start3A_418 : memref<1x2x8x8x129xf32, #tpu.memory_space<vmem>> -> memref<2x8x8x129xf32, #tpu.memory_space<vmem>>
      %dma_start3A_420 = arith.constant 0 : i32
      %dma_start3A_421 = arith.constant 0 : i32
      %dma_start3A_422 = arith.constant 0 : i32
      %dma_start3A_423 = arith.constant 0 : i32
      %dma_start3A_424 = tpu.memref_slice %dma_start3A_419[%dma_start3A_420, %dma_start3A_421, %dma_start3A_422, %dma_start3A_423] : memref<2x8x8x129xf32, #tpu.memory_space<vmem>> -> memref<2x8x8x128xf32, #tpu.memory_space<vmem>>
      %dma_start3A_425 = arith.constant 0 : i32
      %dma_start3A_426 = arith.constant 0 : i32
      %dma_start3A_427 = arith.constant 0 : i32
      %dma_start3A_428 = tpu.memref_slice %arg4[%mul3A_413, %dma_start3A_425, %add3A, %dma_start3A_426, %dma_start3A_427] : memref<200x8x32x8x128xf32, #tpu.memory_space<hbm>> -> memref<2x8x1x8x128xf32, #tpu.memory_space<hbm>>
      %dma_start3A_429 = tpu.memref_squeeze %dma_start3A_428 : memref<2x8x1x8x128xf32, #tpu.memory_space<hbm>> -> memref<2x8x8x128xf32, #tpu.memory_space<hbm>>
      %dma_start3A_430 = arith.constant 0 : i32
      %dma_start3A_431 = arith.constant 0 : i32
      %dma_start3A_432 = arith.constant 0 : i32
      %dma_start3A_433 = tpu.memref_slice %arg4[%mul3A_413, %dma_start3A_430, %add3A, %dma_start3A_431, %dma_start3A_432] : memref<200x8x32x8x128xf32, #tpu.memory_space<hbm>> -> memref<2x8x1x8x128xf32, #tpu.memory_space<hbm>>
      %dma_start3A_434 = tpu.memref_squeeze %dma_start3A_433 : memref<2x8x1x8x128xf32, #tpu.memory_space<hbm>> -> memref<2x8x8x128xf32, #tpu.memory_space<hbm>>
      %dma_start3A_435 = arith.constant 0 : i32
      %dma_start3A_436 = arith.constant 0 : i32
      %dma_start3A_437 = arith.constant 0 : i32
      %dma_start3A_438 = arith.constant 0 : i32
      %dma_start3A_439 = tpu.memref_slice %arg7[%scan3A, %dma_start3A_435, %dma_start3A_436, %dma_start3A_437, %dma_start3A_438] : memref<2x2x8x8x129xf32, #tpu.memory_space<vmem>> -> memref<1x2x8x8x129xf32, #tpu.memory_space<vmem>>
      %dma_start3A_440 = tpu.memref_squeeze %dma_start3A_439 : memref<1x2x8x8x129xf32, #tpu.memory_space<vmem>> -> memref<2x8x8x129xf32, #tpu.memory_space<vmem>>
      %dma_start3A_441 = arith.constant 0 : i32
      %dma_start3A_442 = arith.constant 0 : i32
      %dma_start3A_443 = arith.constant 0 : i32
      %dma_start3A_444 = arith.constant 0 : i32
      %dma_start3A_445 = tpu.memref_slice %dma_start3A_440[%dma_start3A_441, %dma_start3A_442, %dma_start3A_443, %dma_start3A_444] : memref<2x8x8x129xf32, #tpu.memory_space<vmem>> -> memref<2x8x8x128xf32, #tpu.memory_space<vmem>>
      tpu.enqueue_dma source(%dma_start3A_445 : memref<2x8x8x128xf32, #tpu.memory_space<vmem>>) target(%dma_start3A_434 : memref<2x8x8x128xf32, #tpu.memory_space<hbm>>) target_semaphore(%arg11 : memref<!tpu.dma_semaphore, #tpu.memory_space<semaphore_mem>>)
    }
    %scan3A_246 = arith.constant 50 : i32
    %dma_wait3A = arith.constant 0 : i32
    %dma_wait3A_247 = arith.constant 0 : i32
    %dma_wait3A_248 = arith.constant 0 : i32
    %dma_wait3A_249 = arith.constant 0 : i32
    %dma_wait3A_250 = arith.constant 0 : i32
    %dma_wait3A_251 = tpu.memref_slice %arg7[%dma_wait3A, %dma_wait3A_247, %dma_wait3A_248, %dma_wait3A_249, %dma_wait3A_250] : memref<2x2x8x8x129xf32, #tpu.memory_space<vmem>> -> memref<1x2x8x8x129xf32, #tpu.memory_space<vmem>>
    %dma_wait3A_252 = tpu.memref_squeeze %dma_wait3A_251 : memref<1x2x8x8x129xf32, #tpu.memory_space<vmem>> -> memref<2x8x8x129xf32, #tpu.memory_space<vmem>>
    %dma_wait3A_253 = arith.constant 0 : i32
    %dma_wait3A_254 = arith.constant 0 : i32
    %dma_wait3A_255 = arith.constant 0 : i32
    %dma_wait3A_256 = arith.constant 0 : i32
    %dma_wait3A_257 = tpu.memref_slice %dma_wait3A_252[%dma_wait3A_253, %dma_wait3A_254, %dma_wait3A_255, %dma_wait3A_256] : memref<2x8x8x129xf32, #tpu.memory_space<vmem>> -> memref<2x8x8x128xf32, #tpu.memory_space<vmem>>
    %dma_wait3A_258 = arith.constant 196 : i32
    %dma_wait3A_259 = arith.constant 0 : i32
    %dma_wait3A_260 = arith.constant 0 : i32
    %dma_wait3A_261 = arith.constant 0 : i32
    %dma_wait3A_262 = tpu.memref_slice %arg4[%dma_wait3A_258, %dma_wait3A_259, %add3A, %dma_wait3A_260, %dma_wait3A_261] : memref<200x8x32x8x128xf32, #tpu.memory_space<hbm>> -> memref<2x8x1x8x128xf32, #tpu.memory_space<hbm>>
    %dma_wait3A_263 = tpu.memref_squeeze %dma_wait3A_262 : memref<2x8x1x8x128xf32, #tpu.memory_space<hbm>> -> memref<2x8x8x128xf32, #tpu.memory_space<hbm>>
    %dma_wait3A_264 = arith.constant 196 : i32
    %dma_wait3A_265 = arith.constant 0 : i32
    %dma_wait3A_266 = arith.constant 0 : i32
    %dma_wait3A_267 = arith.constant 0 : i32
    %dma_wait3A_268 = tpu.memref_slice %arg4[%dma_wait3A_264, %dma_wait3A_265, %add3A, %dma_wait3A_266, %dma_wait3A_267] : memref<200x8x32x8x128xf32, #tpu.memory_space<hbm>> -> memref<2x8x1x8x128xf32, #tpu.memory_space<hbm>>
    %dma_wait3A_269 = tpu.memref_squeeze %dma_wait3A_268 : memref<2x8x1x8x128xf32, #tpu.memory_space<hbm>> -> memref<2x8x8x128xf32, #tpu.memory_space<hbm>>
    %dma_wait3A_270 = arith.constant 0 : i32
    %dma_wait3A_271 = arith.constant 0 : i32
    %dma_wait3A_272 = arith.constant 0 : i32
    %dma_wait3A_273 = arith.constant 0 : i32
    %dma_wait3A_274 = tpu.memref_slice %arg7[%dma_wait3A, %dma_wait3A_270, %dma_wait3A_271, %dma_wait3A_272, %dma_wait3A_273] : memref<2x2x8x8x129xf32, #tpu.memory_space<vmem>> -> memref<1x2x8x8x129xf32, #tpu.memory_space<vmem>>
    %dma_wait3A_275 = tpu.memref_squeeze %dma_wait3A_274 : memref<1x2x8x8x129xf32, #tpu.memory_space<vmem>> -> memref<2x8x8x129xf32, #tpu.memory_space<vmem>>
    %dma_wait3A_276 = arith.constant 0 : i32
    %dma_wait3A_277 = arith.constant 0 : i32
    %dma_wait3A_278 = arith.constant 0 : i32
    %dma_wait3A_279 = arith.constant 0 : i32
    %dma_wait3A_280 = tpu.memref_slice %dma_wait3A_275[%dma_wait3A_276, %dma_wait3A_277, %dma_wait3A_278, %dma_wait3A_279] : memref<2x8x8x129xf32, #tpu.memory_space<vmem>> -> memref<2x8x8x128xf32, #tpu.memory_space<vmem>>
    tpu.wait_dma2 semaphore(%arg10 : memref<!tpu.dma_semaphore, #tpu.memory_space<semaphore_mem>>) src(%dma_wait3A_280 : memref<2x8x8x128xf32, #tpu.memory_space<vmem>>) dst(%dma_wait3A_269 : memref<2x8x8x128xf32, #tpu.memory_space<hbm>>)
    %dma_wait3A_281 = arith.constant 1 : i32
    %dma_wait3A_282 = arith.constant 0 : i32
    %dma_wait3A_283 = arith.constant 0 : i32
    %dma_wait3A_284 = arith.constant 0 : i32
    %dma_wait3A_285 = arith.constant 0 : i32
    %dma_wait3A_286 = tpu.memref_slice %arg7[%dma_wait3A_281, %dma_wait3A_282, %dma_wait3A_283, %dma_wait3A_284, %dma_wait3A_285] : memref<2x2x8x8x129xf32, #tpu.memory_space<vmem>> -> memref<1x2x8x8x129xf32, #tpu.memory_space<vmem>>
    %dma_wait3A_287 = tpu.memref_squeeze %dma_wait3A_286 : memref<1x2x8x8x129xf32, #tpu.memory_space<vmem>> -> memref<2x8x8x129xf32, #tpu.memory_space<vmem>>
    %dma_wait3A_288 = arith.constant 0 : i32
    %dma_wait3A_289 = arith.constant 0 : i32
    %dma_wait3A_290 = arith.constant 0 : i32
    %dma_wait3A_291 = arith.constant 0 : i32
    %dma_wait3A_292 = tpu.memref_slice %dma_wait3A_287[%dma_wait3A_288, %dma_wait3A_289, %dma_wait3A_290, %dma_wait3A_291] : memref<2x8x8x129xf32, #tpu.memory_space<vmem>> -> memref<2x8x8x128xf32, #tpu.memory_space<vmem>>
    %dma_wait3A_293 = arith.constant 198 : i32
    %dma_wait3A_294 = arith.constant 0 : i32
    %dma_wait3A_295 = arith.constant 0 : i32
    %dma_wait3A_296 = arith.constant 0 : i32
    %dma_wait3A_297 = tpu.memref_slice %arg4[%dma_wait3A_293, %dma_wait3A_294, %add3A, %dma_wait3A_295, %dma_wait3A_296] : memref<200x8x32x8x128xf32, #tpu.memory_space<hbm>> -> memref<2x8x1x8x128xf32, #tpu.memory_space<hbm>>
    %dma_wait3A_298 = tpu.memref_squeeze %dma_wait3A_297 : memref<2x8x1x8x128xf32, #tpu.memory_space<hbm>> -> memref<2x8x8x128xf32, #tpu.memory_space<hbm>>
    %dma_wait3A_299 = arith.constant 198 : i32
    %dma_wait3A_300 = arith.constant 0 : i32
    %dma_wait3A_301 = arith.constant 0 : i32
    %dma_wait3A_302 = arith.constant 0 : i32
    %dma_wait3A_303 = tpu.memref_slice %arg4[%dma_wait3A_299, %dma_wait3A_300, %add3A, %dma_wait3A_301, %dma_wait3A_302] : memref<200x8x32x8x128xf32, #tpu.memory_space<hbm>> -> memref<2x8x1x8x128xf32, #tpu.memory_space<hbm>>
    %dma_wait3A_304 = tpu.memref_squeeze %dma_wait3A_303 : memref<2x8x1x8x128xf32, #tpu.memory_space<hbm>> -> memref<2x8x8x128xf32, #tpu.memory_space<hbm>>
    %dma_wait3A_305 = arith.constant 0 : i32
    %dma_wait3A_306 = arith.constant 0 : i32
    %dma_wait3A_307 = arith.constant 0 : i32
    %dma_wait3A_308 = arith.constant 0 : i32
    %dma_wait3A_309 = tpu.memref_slice %arg7[%dma_wait3A_281, %dma_wait3A_305, %dma_wait3A_306, %dma_wait3A_307, %dma_wait3A_308] : memref<2x2x8x8x129xf32, #tpu.memory_space<vmem>> -> memref<1x2x8x8x129xf32, #tpu.memory_space<vmem>>
    %dma_wait3A_310 = tpu.memref_squeeze %dma_wait3A_309 : memref<1x2x8x8x129xf32, #tpu.memory_space<vmem>> -> memref<2x8x8x129xf32, #tpu.memory_space<vmem>>
    %dma_wait3A_311 = arith.constant 0 : i32
    %dma_wait3A_312 = arith.constant 0 : i32
    %dma_wait3A_313 = arith.constant 0 : i32
    %dma_wait3A_314 = arith.constant 0 : i32
    %dma_wait3A_315 = tpu.memref_slice %dma_wait3A_310[%dma_wait3A_311, %dma_wait3A_312, %dma_wait3A_313, %dma_wait3A_314] : memref<2x8x8x129xf32, #tpu.memory_space<vmem>> -> memref<2x8x8x128xf32, #tpu.memory_space<vmem>>
    tpu.wait_dma2 semaphore(%arg11 : memref<!tpu.dma_semaphore, #tpu.memory_space<semaphore_mem>>) src(%dma_wait3A_315 : memref<2x8x8x128xf32, #tpu.memory_space<vmem>>) dst(%dma_wait3A_304 : memref<2x8x8x128xf32, #tpu.memory_space<hbm>>)
    return
  }
}

</mosaic_0001>

<sc_bundles>
// kernel: kernel.3.cloned.1.call-start
scs
__scs_entry_jumppad:
0x0: {  	(pc) =	sbr.rel $0x88, $3  }
0x1: {  	(tag) =	ssettag $0x0;
	lr =	simm.s32 $0x1  }
0x2: {  	[smem:$0x3F9F] =	sst lr;
	_ =	strace $0xD0000000  }
0x3: {  	_ = 	snop  }
0x4: {  	_ = 	snop  }
0x5: {  	_ = 	snop  }
0x6: {  	_ = 	snop  }
0x7: {  	_ = 	snop  }
__scs_overlays_trampoline_lowered:
0x8: {  	[smem:$0x3FAE] =	sst s0  }
0x9: {  	[smem:$0x3FAF] =	sst s1  }
0xa: {  	[smem:$0x3FB0] =	sst s2  }
0xb: {  	[smem:$0x3FB1] =	sst s3  }
0xc: {  	[smem:$0x3FB2] =	sst s4  }
0xd: {  	[smem:$0x3FB3] =	sst s5  }
0xe: {  	[smem:$0x3FB4] =	sst s6  }
0xf: {  	[smem:$0x3FB5] =	sst s7  }
0x10: {  	[smem:$0x3FB6] =	sst s8  }
0x11: {  	[smem:$0x3FB7] =	sst s9;
	s0 =	simm.s32 @!p0 $0x0  }
0x12: {  	s1 =	sld [smem:$0x3F9D];
	s0 =	simm.s32 @p0 $0x1  }
0x13: {  	[smem:$0x3FB8] =	sst s0;
	s0 =	simm.s32 @!p1 $0x0  }
0x14: {  	s2 =	sld [smem:$0x3F9C];
	s0 =	simm.s32 @p1 $0x1  }
0x15: {  	[smem:$0x3FB9] =	sst s0;
	s0 =	simm.s32 @!p2 $0x0  }
0x16: {  	s3 =	sld [smem:$0x3FDB];
	s0 =	simm.s32 @p2 $0x1  }
0x17: {  	s4 =	simm.s32 $0x1BF5;
	[smem:$0x3FBB] =	sst s0  }
0x18: {  	s0 =	sld [smem:$0x3F9E];
	_ =	swait.ge [sflag:s4], $0x0  }
0x19: {  	s7 =	sld [smem:$0x3F9F]  }
0x1a: {  	s8 =	sadd.s32 $0xFFFFE003, lr  }
0x1b: {  	s9 =	sadd.s32 $0xFFFFFEF7, lr;
	s5 =	simm.s32 $0xFFFFFFFF;
	p2 =	slt.u32 s8, $0xFFFFF086  }
0x1c: {  	p1 =	slt.u32 s9, $0xF7A;
	s5 =	simm.s32 @!p2 $0x0  }
0x1d: {  	s5 =	simm.s32 @p1 $0x1;
	p0 =	seq.s32 s7, s2  }
0x1e: {  	s7 =	smul.u32 @!p0 $0xF7A, s2;
	p2 =	seq.s32 @!p0 s5, $0x0  }
0x1f: {  	s9 =	smul.u32 $0xF7A, s1;
	s8 =	simm.s32 @!p0 $0x1BF5;
	p2 =	por !p2, p0  }
0x20: {  	[sflag:s8] =	ssyncset.s32 @!p0 $0xFFFFF086;
	s6 =	sadd.s32 @!p0 s3, s7;
	s7 =	simm.s32 @!p0 $0x108  }
0x21: {  	s3 =	sadd.s32 s3, s9;
	s6 =	sadd.s32 @!p0 $0x88, s6;
	s7 =	simm.s32 @p2 $0x1082  }
0x22: {  	[simem:s7], [sflag:s8] =	dma.local @!p0 [hbm:s6], $0xF7A  }
0x23: {  	s9 =	sor.u32 $0xD0000000, s2;
	s6 =	simm.s32 $0x108;
	_ =	swait.ge @!p0 [sflag:s8], $0x0  }
0x24: {  	s3 =	sadd.s32 $0x88, s3;
	s6 =	simm.s32 @!p1 $0x1082;
	[sflag:s4] =	ssyncset.s32 $0xFFFFF086  }
0x25: {  	[simem:s6], [sflag:s4] =	dma.local [hbm:s3], $0xF7A  }
0x26: {  	[smem:$0x3F9F] =	sst s1;
	(tag) =	ssettag s2;
	_ =	strace s9  }
0x27: {  	s1 =	sld [smem:$0x3FAF]  }
0x28: {  	s2 =	sld [smem:$0x3FB0]  }
0x29: {  	s4 =	sld [smem:$0x3FB2]  }
0x2a: {  	p0 =	seq.s32 s5, $0x0;
	s5 =	sld [smem:$0x3FB3]  }
0x2b: {  	s6 =	sld [smem:$0x3FB4]  }
0x2c: {  	s7 =	sld [smem:$0x3FB5]  }
0x2d: {  	s3 =	simm.s32 $0x108;
	s8 =	sld [smem:$0x3FB6]  }
0x2e: {  	s3 =	simm.s32 @!p0 $0x1082;
	s9 =	sld [smem:$0x3FB7]  }
0x2f: {  	lr =	sadd.s32 s0, s3;
	s0 =	sld [smem:$0x3FAE]  }
0x30: {  	s3 =	sld [smem:$0x3FB1]  }
0x31: {  	[smem:$0x3FBA] =	sst s10  }
0x32: {  	s10 =	sld [smem:$0x3FB8];
	_ =	sdelay $0x3  }
0x33: {  	p0 =	seq.s32 s10, $0x1;
	s10 =	sld [smem:$0x3FBA];
	_ =	sdelay $0x3  }
0x34: {  	[smem:$0x3FBA] =	sst s10  }
0x35: {  	s10 =	sld [smem:$0x3FB9];
	_ =	sdelay $0x3  }
0x36: {  	p1 =	seq.s32 s10, $0x1;
	s10 =	sld [smem:$0x3FBA];
	_ =	sdelay $0x3  }
0x37: {  	[smem:$0x3FBA] =	sst s10  }
0x38: {  	s10 =	sld [smem:$0x3FBB]  }
0x39: {  	_ = 	snop;
	(pc) =	sbr.ind lr, $3  }
0x3a: {  	_ = 	snop  }
0x3b: {  	_ = 	snop  }
0x3c: {  	p2 =	seq.s32 s10, $0x1;
	s10 =	sld [smem:$0x3FBA]  }
0x3d: {  	_ =	shalt  }
0x3e: {  	_ =	shalt  }
0x3f: {  	_ =	shalt  }
0x40: {  	_ =	shalt  }
0x41: {  	_ =	shalt  }
0x42: {  	_ =	shalt  }
0x43: {  	_ =	shalt  }
0x44: {  	_ =	shalt  }
0x45: {  	_ =	shalt  }
0x46: {  	_ =	shalt  }
0x47: {  	_ =	shalt  }
0x48: {  	_ =	shalt  }
0x49: {  	_ =	shalt  }
0x4a: {  	_ =	shalt  }
0x4b: {  	_ =	shalt  }
0x4c: {  	_ =	shalt  }
0x4d: {  	_ =	shalt  }
0x4e: {  	_ =	shalt  }
0x4f: {  	_ =	shalt  }
0x50: {  	_ =	shalt  }
0x51: {  	_ =	shalt  }
0x52: {  	_ =	shalt  }
0x53: {  	_ =	shalt  }
0x54: {  	_ =	shalt  }
0x55: {  	_ =	shalt  }
0x56: {  	_ =	shalt  }
0x57: {  	_ =	shalt  }
0x58: {  	_ =	shalt  }
0x59: {  	_ =	shalt  }
0x5a: {  	_ =	shalt  }
0x5b: {  	_ =	shalt  }
0x5c: {  	_ =	shalt  }
0x5d: {  	_ =	shalt  }
0x5e: {  	_ =	shalt  }
0x5f: {  	_ =	shalt  }
0x60: {  	_ =	shalt  }
0x61: {  	_ =	shalt  }
0x62: {  	_ =	shalt  }
0x63: {  	_ =	shalt  }
0x64: {  	_ =	shalt  }
0x65: {  	_ =	shalt  }
0x66: {  	_ =	shalt  }
0x67: {  	_ =	shalt  }
0x68: {  	_ =	shalt  }
0x69: {  	_ =	shalt  }
0x6a: {  	_ =	shalt  }
0x6b: {  	_ =	shalt  }
0x6c: {  	_ =	shalt  }
0x6d: {  	_ =	shalt  }
0x6e: {  	_ =	shalt  }
0x6f: {  	_ =	shalt  }
0x70: {  	_ =	shalt  }
0x71: {  	_ =	shalt  }
0x72: {  	_ =	shalt  }
0x73: {  	_ =	shalt  }
0x74: {  	_ =	shalt  }
0x75: {  	_ =	shalt  }
0x76: {  	_ =	shalt  }
0x77: {  	_ =	shalt  }
0x78: {  	_ =	shalt  }
0x79: {  	_ =	shalt  }
0x7a: {  	_ =	shalt  }
0x7b: {  	_ =	shalt  }
0x7c: {  	_ =	shalt  }
0x7d: {  	_ =	shalt  }
0x7e: {  	_ =	shalt  }
0x7f: {  	_ =	shalt  }
0x80: {  	_ =	shalt  }
0x81: {  	_ =	shalt  }
0x82: {  	_ =	shalt  }
0x83: {  	_ =	shalt  }
0x84: {  	_ =	shalt  }
0x85: {  	_ =	shalt  }
0x86: {  	_ =	shalt  }
0x87: {  	_ =	shalt  }
.Lfunc_end0:
.L_simem_size_0:
called_computation_lowered:
.L_overlay_start_0:
0x88: {  	s2 =	sld [smem:$0x3FD9]  }
0x89: {  	s3 =	sld [smem:$0x3FFE];
	_ =	sdelay $0x1  }
0x8a: {  	s1 =	srdreg.scid  }
0x8b: {  	s0 =	sand.u32 $0x1, s1  }
0x8c: {  	s17 =	sshll.u32 s0, $0xA;
	s2 =	sadd.s32 s3, s2  }
0x8d: {  	s2 =	sadd.s32 s2, s17  }
0x8e: {  	[smem:$0x3FC6] =	sst s2  }
0x8f: {  	_ = 	snop  }
0x90: {  	s2 =	sld [smem:$0x3FD0];
	(tm) =	ssettm $0x1  }
0x91: {  	s18 =	sld [smem:$0x3FFB];
	_ =	sdelay $0x3  }
0x92: {  	_ =	strace s18  }
0x93: {  	s3 =	sld [smem:$0x3FFC];
	_ =	sdelay $0x3  }
0x94: {  	_ =	strace s3  }
0x95: {  	s3 =	sld [smem:$0x3FFD];
	_ =	sdelay $0x3  }
0x96: {  	_ =	strace s3  }
0x97: {  	_ =	strace $0x8FFFFFFF  }
0x98: {  	s19 =	sld [smem:$0x3FDB];
	_ =	sdelay $0x1  }
0x99: {  	s4 =	simm.s32 $_scs_section_size  }
0x9a: {  	s5 =	simm.s32 $_size__tile_overlayer_lowered;
	s6 =	simm.s32 $_tile_overlayer_lowered  }
0x9b: {  	s22 =	simm.s32 $0x1BFF;
	s21 =	sshll.u32 s6, $0x1;
	s3 =	sadd.s32 s4, s19  }
0x9c: {  	s7 =	simm.s32 $0x0;
	s20 =	sshll.u32 s5, $0x1;
	s5 =	sadd.s32 s21, s3  }
0x9d: {  	[timem:s7], [sflag:s22] =	dma.local [hbm:s5], s20  }
0x9e: {  	_ =	swait.ge [sflag:s22], s20  }
0x9f: {  	s4 =	ssub.s32 $0x0, s20;
	[sflag:s22] =	ssyncset.done $0x0  }
0xa0: {  	[sflag:s22] =	ssyncadd.s32 s4;
	_ =	sdelay $0x1  }
0xa1: {  	s23 =	simm.s32 $0x1B8B  }
0xa2: {  	_ =	swait.ge [sflag:s23], $0x1  }
0xa3: {  	[sflag:s23] =	ssyncset.done $0x0  }
0xa4: {  	s25 =	simm.s32 $0x1B8E;
	s24 =	sld [smem:$0x3FFE];
	[sflag:s23] =	ssyncadd.s32 $0xFFFFFFFF  }
0xa5: {  	s26 =	simm.s32 $execute0_lowered;
	[smem:$0x3FD2] =	sst s25  }
0xa6: {  	s5 =	sshll.u32 s26, $0x1;
	_ =	strace $0x80000046;
	[dreg:$0x1] =	wrdreg $0xFFFFFFFF  }
0xa7: {  	s28 =	simm.s32 $_size_execute0_lowered;
	s3 =	sadd.s32 s3, s5;
	[dreg:$0x0] =	wrdreg $0x0  }
0xa8: {  	s5 =	sshll.u32 s28, $0x1;
	[dreg:$0x2] =	wrdreg s3  }
0xa9: {  	[dreg:$0x3] =	wrdreg s5  }
0xaa: {  	[dreg:$0x4] =	wrdreg $0xC0  }
0xab: {  	_ =	task [dreg:s7], $0x5FFFF  }
0xac: {  	[dreg:$0x1] =	wrdreg $0xFFFFFFFF  }
0xad: {  	[dreg:$0x0] =	wrdreg $0x60  }
0xae: {  	[dreg:$0x2] =	wrdreg s24  }
0xaf: {  	[dreg:$0x3] =	wrdreg s2  }
0xb0: {  	[dreg:$0x4] =	wrdreg $0x9  }
0xb1: {  	_ =	task.clear_ibuf [dreg:s7], $0x5FFFF;
	_ =	strace $0x90000046  }
0xb2: {  	s29 =	simm.s32 $0x9;
	_ =	strace $0x80000048  }
0xb3: {  	_ =	swait.ge [sflag:s29], $0x1  }
0xb4: {  	[sflag:s29] =	ssyncadd.s32 $0xFFFFFFFF  }
0xb5: {  	_ =	strace $0x90000048  }
0xb6: {  	_ =	sfence  }
0xb7: {  	s30 =	sld [smem:$0x0];
	_ =	sdelay $0x2  }
0xb8: {  	s31 =	sshll.u32 s1, $0xD;
	s1 =	sshrl.u32 s1, $0x2  }
0xb9: {  	s3 =	sand.u32 $0x4000, s31;
	s1 =	sadd.s32 s1, s30  }
0xba: {  	s0 =	sor.u32 s3, s0;
	s1 =	sshll.u32 s1, $0x11  }
0xbb: {  	s0 =	sor.u32 s1, s0  }
0xbc: {  	s0 =	sadd.s32 $0x8F2B, s0  }
0xbd: {  	[sflag:s0] =	ssyncadd.remote.s32 $0x1  }
0xbe: {  	_ =	sfence.sel $0xFFFF  }
0xbf: {  	[dreg:$0x0] =	wrdreg $0xFFFFFFFF;
	(pc) =	sbr.abs _section_cstart, $3  }
0xc0: {  	[dreg:$0x1] =	wrdreg $0xFFFFFFFF  }
0xc1: {  	_ =	task.clear_ibuf [dreg:s7], $0x2FFFF;
	_ =	strace $0x9FFFFFFF  }
0xc2: {  	(tm) =	ssettm $0x7FFFFFFF  }
0xc3: {  	_ =	shalt  }
tec
execute0_lowered:
.L_overlay_start_1:
0x0: {  	(tag) =	ssettag $0x1  }
0x1: {  	s4 =	rddreg [dreg:$0x0];
	s1 =	srdreg.scid  }
0x2: {  	s0 =	stileid.u32;
	s2 =	rddreg [dreg:$0x1]  }
0x3: {  	s3 =	simm.s32 $0x0;
	s9 =	simm.s32 $0x100;
	s10 =	simm.s32 $0x6400  }
0x4: {  	s11 =	simm.s32 $0xA400;
	s12 =	simm.s32 $0x1;
	s13 =	simm.s32 $0xE400  }
0x5: {  	s14 =	simm.s32 $0x2;
	s15 =	simm.s32 $0x12800;
	s16 =	simm.s32 $0x3  }
0x6: {  	v0 =	vlaneseq.u32;
	s17 =	simm.s32 $0x4;
	s5 =	sand.u32 $0x1, s1;
	s6 =	sshll.u32 s0, $0x1  }
0x7: {  	s18 =	simm.s32 $0x0;
	s1 =	rddreg [dreg:$0x2];
	v0 =	vmul.u32 $0x88, v0;
	s6 =	sor.u32 s5, s6  }
0x8: {  	[smem:$0x7FF] =	sst s3;
	s5 =	ssub.s32 $0x2, s5;
	s7 =	smul.u32 $0xC80, s6  }
0x9: {  	_ =	strace $0x80000047;
	s8 =	sshrl.u32 s5, $0x1;
	s6 =	sshll.u32 s6, $0xA;
	v1 =	vadd.s32 $0x880, v0  }
0xa: {  	v2 =	vadd.s32 $0x1100, v0;
	v3 =	vadd.s32 $0x1980, v0;
	v4 =	vadd.s32 $0x2200, v0;
	s8 =	ssub.s32 s5, s8;
	s7 =	sadd.s32 s7, s4;
	s4 =	sadd.s32 $0xF42A00, s4  }
0xb: {  	v5 =	vadd.s32 $0x2A80, v0;
	v6 =	vadd.s32 $0x3300, v0;
	v7 =	vadd.s32 $0x3B80, v0;
	s5 =	sadd.s32 $0x600, s7;
	s7 =	smax.u32 s8, $0x1;
	s8 =	simm.s32 $0x5  }
.LBB2_1:
0xc: {  	[tilespmem:s3], [sflag:$0x5] =	stream.linear.gather [hbm4b:s5+s3], $0x6400, $0x38;
	[tilespmem:$0x16C00] =	vst v63  }
0xd: {  	_ =	swait.ge [sflag:s8], $0x6400  }
0xe: {  	[sflag:s8] =	ssyncset.done $0x0  }
0xf: {  	s19 =	simm.s32 $0x0;
	[sflag:s8] =	ssyncadd.s32 $0xFFFF9C00  }
0x10: {  	[tilespmem:s10], [sflag:$0x1] =	stream.indirect.gather [hbm4b:s4+s9], $0x40, s3, s9, $0xb8;
	[tilespmem:$0x16C00] =	vst v63  }
.LBB2_2:
0x11: {  	p0 =	seq.s32 s19, $0x0  }
0x12: {  	s20 =	sshll.u32 s19, $0x1;
	s21 =	simm.s32 @!p0 $0x4  }
0x13: {  	s20 =	sor.u32 $0x1, s20;
	_ =	swait.ge @!p0 [sflag:s21], $0x4000  }
0x14: {  	s22 =	sshll.u32 s20, $0x8;
	[sflag:s21] =	ssyncset.done @!p0 $0x0  }
0x15: {  	s29 =	sand.u32 $0x3FFFFF00, s22;
	[sflag:s21] =	ssyncadd.s32 @!p0 $0xFFFFC000  }
0x16: {  	[tilespmem:s11], [sflag:$0x2] =	stream.indirect.gather [hbm4b:s4+s9], $0x40, s29, s9, $0xb8;
	[tilespmem:$0x16C00] =	vst v63  }
0x17: {  	_ =	swait.ge [sflag:s12], $0x4000  }
0x18: {  	[sflag:s12] =	ssyncset.done $0x0  }
0x19: {  	s30 =	simm.s32 $0x0;
	s21 =	simm.s32 $0x8400;
	[sflag:s12] =	ssyncadd.s32 $0xFFFFC000  }
0x1a: {  	v8 =	vmov s30;
	v9 =	vld [tilespmem:s21+$0xFFFFE000]  }
0x1b: {  	v8 =	vand.u32 $0x7E, v8  }
0x1c: {  	v10 =	vadd.s32 v0, v8;
	_ =	sdelay $0x2  }
0x1d: {  	v9 =	vmul.f32 $8.000000000e+00, v9;
	_ =	sdelay $0x1  }
0x1e: {  	[tilespmem:v10+s13+$0x0] =	vst.idx.msk $0xffff, v9  }
0x1f: {  	v9 =	vld [tilespmem:s21+$0xFFFFE010];
	_ =	sdelay $0x1  }
0x20: {  	v10 =	vadd.s32 v1, v8;
	_ =	sdelay $0x2  }
0x21: {  	v9 =	vmul.f32 $8.000000000e+00, v9;
	_ =	sdelay $0x1  }
0x22: {  	[tilespmem:v10+s13+$0x0] =	vst.idx.msk $0xffff, v9  }
0x23: {  	v9 =	vld [tilespmem:s21+$0xFFFFE020];
	_ =	sdelay $0x1  }
0x24: {  	v10 =	vadd.s32 v2, v8;
	_ =	sdelay $0x2  }
0x25: {  	v9 =	vmul.f32 $8.000000000e+00, v9;
	_ =	sdelay $0x1  }
0x26: {  	[tilespmem:v10+s13+$0x0] =	vst.idx.msk $0xffff, v9  }
0x27: {  	v9 =	vld [tilespmem:s21+$0xFFFFE030];
	_ =	sdelay $0x1  }
0x28: {  	v10 =	vadd.s32 v3, v8;
	_ =	sdelay $0x2  }
0x29: {  	v9 =	vmul.f32 $8.000000000e+00, v9;
	_ =	sdelay $0x1  }
0x2a: {  	[tilespmem:v10+s13+$0x0] =	vst.idx.msk $0xffff, v9  }
0x2b: {  	v9 =	vld [tilespmem:s21+$0x0];
	_ =	sdelay $0x1  }
0x2c: {  	v10 =	vadd.s32 v4, v8;
	_ =	sdelay $0x2  }
0x2d: {  	v9 =	vmul.f32 $8.000000000e+00, v9;
	_ =	sdelay $0x1  }
0x2e: {  	[tilespmem:v10+s13+$0x0] =	vst.idx.msk $0xffff, v9  }
0x2f: {  	v9 =	vld [tilespmem:s21+$0x10];
	_ =	sdelay $0x1  }
0x30: {  	v10 =	vadd.s32 v5, v8;
	_ =	sdelay $0x2  }
0x31: {  	v9 =	vmul.f32 $8.000000000e+00, v9;
	_ =	sdelay $0x1  }
0x32: {  	[tilespmem:v10+s13+$0x0] =	vst.idx.msk $0xffff, v9  }
0x33: {  	v9 =	vld [tilespmem:s21+$0x20];
	_ =	sdelay $0x1  }
0x34: {  	v10 =	vadd.s32 v6, v8;
	_ =	sdelay $0x2  }
0x35: {  	v9 =	vmul.f32 $8.000000000e+00, v9;
	_ =	sdelay $0x1  }
0x36: {  	[tilespmem:v10+s13+$0x0] =	vst.idx.msk $0xffff, v9  }
0x37: {  	v9 =	vld [tilespmem:s21+$0x30];
	_ =	sdelay $0x1  }
0x38: {  	v8 =	vadd.s32 v7, v8;
	_ =	sdelay $0x2  }
0x39: {  	v9 =	vmul.f32 $8.000000000e+00, v9;
	_ =	sdelay $0x1  }
0x3a: {  	s31 =	simm.s32 $0x1;
	[tilespmem:v8+s13+$0x0] =	vst.idx.msk $0xffff, v9  }
0x3b: {  	v8 =	vmov s31;
	v9 =	vld [tilespmem:s21+$0xFFFFE040]  }
0x3c: {  	v8 =	vand.u32 $0x7F, v8  }
0x3d: {  	v10 =	vadd.s32 v0, v8;
	_ =	sdelay $0x2  }
0x3e: {  	v9 =	vmul.f32 $8.000000000e+00, v9;
	_ =	sdelay $0x1  }
0x3f: {  	[tilespmem:v10+s13+$0x0] =	vst.idx.msk $0xffff, v9  }
0x40: {  	v9 =	vld [tilespmem:s21+$0xFFFFE050];
	_ =	sdelay $0x1  }
0x41: {  	v10 =	vadd.s32 v1, v8;
	_ =	sdelay $0x2  }
0x42: {  	v9 =	vmul.f32 $8.000000000e+00, v9;
	_ =	sdelay $0x1  }
0x43: {  	[tilespmem:v10+s13+$0x0] =	vst.idx.msk $0xffff, v9  }
0x44: {  	v9 =	vld [tilespmem:s21+$0xFFFFE060];
	_ =	sdelay $0x1  }
0x45: {  	v10 =	vadd.s32 v2, v8;
	_ =	sdelay $0x2  }
0x46: {  	v9 =	vmul.f32 $8.000000000e+00, v9;
	_ =	sdelay $0x1  }
0x47: {  	[tilespmem:v10+s13+$0x0] =	vst.idx.msk $0xffff, v9  }
0x48: {  	v9 =	vld [tilespmem:s21+$0xFFFFE070];
	_ =	sdelay $0x1  }
0x49: {  	v10 =	vadd.s32 v3, v8;
	_ =	sdelay $0x2  }
0x4a: {  	v9 =	vmul.f32 $8.000000000e+00, v9;
	_ =	sdelay $0x1  }
0x4b: {  	[tilespmem:v10+s13+$0x0] =	vst.idx.msk $0xffff, v9  }
0x4c: {  	v9 =	vld [tilespmem:s21+$0x40];
	_ =	sdelay $0x1  }
0x4d: {  	v10 =	vadd.s32 v4, v8;
	_ =	sdelay $0x2  }
0x4e: {  	v9 =	vmul.f32 $8.000000000e+00, v9;
	_ =	sdelay $0x1  }
0x4f: {  	[tilespmem:v10+s13+$0x0] =	vst.idx.msk $0xffff, v9  }
0x50: {  	v9 =	vld [tilespmem:s21+$0x50];
	_ =	sdelay $0x1  }
0x51: {  	v10 =	vadd.s32 v5, v8;
	_ =	sdelay $0x2  }
0x52: {  	v9 =	vmul.f32 $8.000000000e+00, v9;
	_ =	sdelay $0x1  }
0x53: {  	[tilespmem:v10+s13+$0x0] =	vst.idx.msk $0xffff, v9  }
0x54: {  	v9 =	vld [tilespmem:s21+$0x60];
	_ =	sdelay $0x1  }
0x55: {  	v10 =	vadd.s32 v6, v8;
	_ =	sdelay $0x2  }
0x56: {  	v9 =	vmul.f32 $8.000000000e+00, v9;
	_ =	sdelay $0x1  }
0x57: {  	[tilespmem:v10+s13+$0x0] =	vst.idx.msk $0xffff, v9  }
0x58: {  	v9 =	vld [tilespmem:s21+$0x70];
	_ =	sdelay $0x1  }
0x59: {  	v8 =	vadd.s32 v7, v8;
	_ =	sdelay $0x2  }
0x5a: {  	s22 =	simm.s32 $0x2;
	v9 =	vmul.f32 $8.000000000e+00, v9  }
.LBB2_3:
0x5b: {  	p0 =	slt.u32 s22, $0x7E  }
0x5c: {  	s21 =	sadd.s32 $0x80, s21;
	s23 =	smov.u32 s22;
	s22 =	sadd.s32 $0x2, s22;
	[tilespmem:v8+s13+$0x0] =	vst.idx.msk $0xffff, v9  }
0x5d: {  	v8 =	vmov s23;
	v9 =	vld [tilespmem:s21+$0xFFFFE000]  }
0x5e: {  	v8 =	vand.u32 $0x7E, v8  }
0x5f: {  	v10 =	vadd.s32 v0, v8;
	_ =	sdelay $0x2  }
0x60: {  	v9 =	vmul.f32 $8.000000000e+00, v9;
	_ =	sdelay $0x1  }
0x61: {  	[tilespmem:v10+s13+$0x0] =	vst.idx.msk $0xffff, v9  }
0x62: {  	v9 =	vld [tilespmem:s21+$0xFFFFE010];
	_ =	sdelay $0x1  }
0x63: {  	v10 =	vadd.s32 v1, v8;
	_ =	sdelay $0x2  }
0x64: {  	v9 =	vmul.f32 $8.000000000e+00, v9;
	_ =	sdelay $0x1  }
0x65: {  	[tilespmem:v10+s13+$0x0] =	vst.idx.msk $0xffff, v9  }
0x66: {  	v9 =	vld [tilespmem:s21+$0xFFFFE020];
	_ =	sdelay $0x1  }
0x67: {  	v10 =	vadd.s32 v2, v8;
	_ =	sdelay $0x2  }
0x68: {  	v9 =	vmul.f32 $8.000000000e+00, v9;
	_ =	sdelay $0x1  }
0x69: {  	[tilespmem:v10+s13+$0x0] =	vst.idx.msk $0xffff, v9  }
0x6a: {  	v9 =	vld [tilespmem:s21+$0xFFFFE030];
	_ =	sdelay $0x1  }
0x6b: {  	v10 =	vadd.s32 v3, v8;
	_ =	sdelay $0x2  }
0x6c: {  	v9 =	vmul.f32 $8.000000000e+00, v9;
	_ =	sdelay $0x1  }
0x6d: {  	[tilespmem:v10+s13+$0x0] =	vst.idx.msk $0xffff, v9  }
0x6e: {  	v9 =	vld [tilespmem:s21+$0x0];
	_ =	sdelay $0x1  }
0x6f: {  	v10 =	vadd.s32 v4, v8;
	_ =	sdelay $0x2  }
0x70: {  	v9 =	vmul.f32 $8.000000000e+00, v9;
	_ =	sdelay $0x1  }
0x71: {  	[tilespmem:v10+s13+$0x0] =	vst.idx.msk $0xffff, v9  }
0x72: {  	v9 =	vld [tilespmem:s21+$0x10];
	_ =	sdelay $0x1  }
0x73: {  	v10 =	vadd.s32 v5, v8;
	_ =	sdelay $0x2  }
0x74: {  	v9 =	vmul.f32 $8.000000000e+00, v9;
	_ =	sdelay $0x1  }
0x75: {  	[tilespmem:v10+s13+$0x0] =	vst.idx.msk $0xffff, v9  }
0x76: {  	v9 =	vld [tilespmem:s21+$0x20];
	_ =	sdelay $0x1  }
0x77: {  	v10 =	vadd.s32 v6, v8;
	_ =	sdelay $0x2  }
0x78: {  	v9 =	vmul.f32 $8.000000000e+00, v9;
	_ =	sdelay $0x1  }
0x79: {  	[tilespmem:v10+s13+$0x0] =	vst.idx.msk $0xffff, v9  }
0x7a: {  	v9 =	vld [tilespmem:s21+$0x30];
	_ =	sdelay $0x1  }
0x7b: {  	v8 =	vadd.s32 v7, v8;
	_ =	sdelay $0x2  }
0x7c: {  	v9 =	vmul.f32 $8.000000000e+00, v9;
	_ =	sdelay $0x1  }
0x7d: {  	s23 =	sadd.s32 $0x1, s23;
	[tilespmem:v8+s13+$0x0] =	vst.idx.msk $0xffff, v9  }
0x7e: {  	v8 =	vmov s23;
	v9 =	vld [tilespmem:s21+$0xFFFFE040]  }
0x7f: {  	v8 =	vand.u32 $0x7F, v8  }
0x80: {  	v10 =	vadd.s32 v0, v8;
	_ =	sdelay $0x2  }
0x81: {  	v9 =	vmul.f32 $8.000000000e+00, v9;
	_ =	sdelay $0x1  }
0x82: {  	[tilespmem:v10+s13+$0x0] =	vst.idx.msk $0xffff, v9  }
0x83: {  	v9 =	vld [tilespmem:s21+$0xFFFFE050];
	_ =	sdelay $0x1  }
0x84: {  	v10 =	vadd.s32 v1, v8;
	_ =	sdelay $0x2  }
0x85: {  	v9 =	vmul.f32 $8.000000000e+00, v9;
	_ =	sdelay $0x1  }
0x86: {  	[tilespmem:v10+s13+$0x0] =	vst.idx.msk $0xffff, v9  }
0x87: {  	v9 =	vld [tilespmem:s21+$0xFFFFE060];
	_ =	sdelay $0x1  }
0x88: {  	v10 =	vadd.s32 v2, v8;
	_ =	sdelay $0x2  }
0x89: {  	v9 =	vmul.f32 $8.000000000e+00, v9;
	_ =	sdelay $0x1  }
0x8a: {  	[tilespmem:v10+s13+$0x0] =	vst.idx.msk $0xffff, v9  }
0x8b: {  	v9 =	vld [tilespmem:s21+$0xFFFFE070];
	_ =	sdelay $0x1  }
0x8c: {  	v10 =	vadd.s32 v3, v8;
	_ =	sdelay $0x2  }
0x8d: {  	v9 =	vmul.f32 $8.000000000e+00, v9;
	_ =	sdelay $0x1  }
0x8e: {  	[tilespmem:v10+s13+$0x0] =	vst.idx.msk $0xffff, v9  }
0x8f: {  	v9 =	vld [tilespmem:s21+$0x40];
	_ =	sdelay $0x1  }
0x90: {  	v10 =	vadd.s32 v4, v8;
	_ =	sdelay $0x2  }
0x91: {  	v9 =	vmul.f32 $8.000000000e+00, v9;
	_ =	sdelay $0x1  }
0x92: {  	[tilespmem:v10+s13+$0x0] =	vst.idx.msk $0xffff, v9  }
0x93: {  	v9 =	vld [tilespmem:s21+$0x50];
	_ =	sdelay $0x1  }
0x94: {  	v10 =	vadd.s32 v5, v8;
	_ =	sdelay $0x2  }
0x95: {  	v9 =	vmul.f32 $8.000000000e+00, v9;
	_ =	sdelay $0x1  }
0x96: {  	[tilespmem:v10+s13+$0x0] =	vst.idx.msk $0xffff, v9  }
0x97: {  	v9 =	vld [tilespmem:s21+$0x60];
	_ =	sdelay $0x1  }
0x98: {  	v10 =	vadd.s32 v6, v8;
	_ =	sdelay $0x2  }
0x99: {  	v9 =	vmul.f32 $8.000000000e+00, v9;
	_ =	sdelay $0x1  }
0x9a: {  	[tilespmem:v10+s13+$0x0] =	vst.idx.msk $0xffff, v9  }
0x9b: {  	v9 =	vld [tilespmem:s21+$0x70]  }
.Ltmp0:
0x9c: {  	(pc) =	sbr.rel @p0 .LBB2_3-.Ltmp0, $2  }
0x9d: {  	v8 =	vadd.s32 v7, v8;
	_ =	sdelay $0x2  }
0x9e: {  	v9 =	vmul.f32 $8.000000000e+00, v9  }
0x9f: {  	_ = 	snop  }
0xa0: {  	s21 =	sshll.u32 s19, $0x14  }
0xa1: {  	s21 =	sor.u32 s6, s21  }
0xa2: {  	s21 =	sshrl.u32 s21, $0x3  }
0xa3: {  	s28 =	simm.s32 $0xE400;
	[tilespmem:v8+s13+$0x0] =	vst.idx.msk $0xffff, v9;
	s22 =	sadd.s32 s2, s21  }
0xa4: {  	[hbm4b:s22+s3] =	stream.linear.scatter [tilespmem:s28], [sflag:$0x3], $0x80, $0x38;
	[tilespmem:$0x16C00] =	vst v63  }
0xa5: {  	s29 =	simm.s32 $0xE488;
	s23 =	sadd.s32 $0x10, s22  }
0xa6: {  	[hbm4b:s23+s3] =	stream.linear.scatter [tilespmem:s29], [sflag:$0x3], $0x80, $0x38;
	[tilespmem:$0x16C00] =	vst v63  }
0xa7: {  	s30 =	simm.s32 $0xE510;
	s25 =	simm.s32 $0xE620;
	s31 =	sadd.s32 $0x20, s22  }
0xa8: {  	[hbm4b:s31+s3] =	stream.linear.scatter [tilespmem:s30], [sflag:$0x3], $0x80, $0x38;
	[tilespmem:$0x16C00] =	vst v63  }
0xa9: {  	s21 =	simm.s32 $0x440;
	s24 =	sadd.s32 $0x30, s22;
	s23 =	simm.s32 $0xE598  }
0xaa: {  	[hbm4b:s24+s3] =	stream.linear.scatter [tilespmem:s23], [sflag:$0x3], $0x80, $0x38;
	[tilespmem:$0x16C00] =	vst v63  }
0xab: {  	s26 =	sadd.s32 $0x40, s22;
	s28 =	simm.s32 $0xE6A8;
	s29 =	sadd.s32 $0x50, s22  }
0xac: {  	[hbm4b:s26+s3] =	stream.linear.scatter [tilespmem:s25], [sflag:$0x3], $0x80, $0x38;
	[tilespmem:$0x16C00] =	vst v63  }
0xad: {  	s30 =	simm.s32 $0xE730;
	s31 =	sadd.s32 $0x60, s22;
	s23 =	simm.s32 $0x2200  }
0xae: {  	[hbm4b:s29+s3] =	stream.linear.scatter [tilespmem:s28], [sflag:$0x3], $0x80, $0x38;
	[tilespmem:$0x16C00] =	vst v63  }
0xaf: {  	s24 =	simm.s32 $0xE7B8;
	s25 =	sadd.s32 $0x70, s22;
	s22 =	sadd.s32 $0x1000, s22  }
0xb0: {  	[hbm4b:s31+s3] =	stream.linear.scatter [tilespmem:s30], [sflag:$0x3], $0x80, $0x38;
	[tilespmem:$0x16C00] =	vst v63  }
.LBB2_5:
0xb1: {  	[hbm4b:s25+s3] =	stream.linear.scatter [tilespmem:s24], [sflag:$0x3], $0x80, $0x38;
	[tilespmem:$0x16C00] =	vst v63  }
0xb2: {  	s24 =	smov.u32 s21;
	s21 =	smov.u32 s23  }
0xb3: {  	s26 =	sadd.s32 $0x1100, s23;
	s21 =	sshra.s32 s21, $0x2;
	s25 =	sadd.s32 $0xE400, s24  }
0xb4: {  	[hbm4b:s22+s3] =	stream.linear.scatter [tilespmem:s25], [sflag:$0x3], $0x80, $0x38;
	[tilespmem:$0x16C00] =	vst v63  }
0xb5: {  	p0 =	sne.s32 s23, $0xFF00;
	s23 =	sadd.s32 $0xE488, s24;
	s25 =	sadd.s32 $0x10, s22  }
0xb6: {  	[hbm4b:s25+s3] =	stream.linear.scatter [tilespmem:s23], [sflag:$0x3], $0x80, $0x38;
	[tilespmem:$0x16C00] =	vst v63  }
0xb7: {  	s23 =	sadd.s32 $0xE510, s24;
	s25 =	sadd.s32 $0x20, s22  }
0xb8: {  	[hbm4b:s25+s3] =	stream.linear.scatter [tilespmem:s23], [sflag:$0x3], $0x80, $0x38;
	[tilespmem:$0x16C00] =	vst v63  }
0xb9: {  	s23 =	sadd.s32 $0xE598, s24;
	s25 =	sadd.s32 $0x30, s22  }
0xba: {  	[hbm4b:s25+s3] =	stream.linear.scatter [tilespmem:s23], [sflag:$0x3], $0x80, $0x38;
	[tilespmem:$0x16C00] =	vst v63  }
0xbb: {  	s23 =	sadd.s32 $0xE620, s24;
	s25 =	sadd.s32 $0x40, s22  }
0xbc: {  	[hbm4b:s25+s3] =	stream.linear.scatter [tilespmem:s23], [sflag:$0x3], $0x80, $0x38;
	[tilespmem:$0x16C00] =	vst v63  }
.Ltmp1:
0xbd: {  	s23 =	sadd.s32 $0xE6A8, s24;
	s25 =	sadd.s32 $0x50, s22;
	(pc) =	sbr.rel @p0 .LBB2_5-.Ltmp1, $4  }
0xbe: {  	[hbm4b:s25+s3] =	stream.linear.scatter [tilespmem:s23], [sflag:$0x3], $0x80, $0x38;
	[tilespmem:$0x16C00] =	vst v63  }
0xbf: {  	s23 =	sadd.s32 $0xE730, s24;
	s25 =	sadd.s32 $0x60, s22;
	s24 =	sadd.s32 $0xE7B8, s24  }
0xc0: {  	[hbm4b:s25+s3] =	stream.linear.scatter [tilespmem:s23], [sflag:$0x3], $0x80, $0x38;
	[tilespmem:$0x16C00] =	vst v63  }
0xc1: {  	s25 =	sadd.s32 $0x70, s22;
	s22 =	sadd.s32 $0x1000, s22;
	s23 =	smov.u32 s26  }
0xc2: {  	[hbm4b:s25+s3] =	stream.linear.scatter [tilespmem:s24], [sflag:$0x3], $0x80, $0x38;
	[tilespmem:$0x16C00] =	vst v63  }
0xc3: {  	s23 =	sadd.s32 $0xE400, s21  }
0xc4: {  	[hbm4b:s22+s3] =	stream.linear.scatter [tilespmem:s23], [sflag:$0x3], $0x80, $0x38;
	[tilespmem:$0x16C00] =	vst v63  }
0xc5: {  	s28 =	sadd.s32 $0xE488, s21;
	s29 =	sadd.s32 $0x10, s22  }
0xc6: {  	[hbm4b:s29+s3] =	stream.linear.scatter [tilespmem:s28], [sflag:$0x3], $0x80, $0x38;
	[tilespmem:$0x16C00] =	vst v63  }
0xc7: {  	s30 =	sadd.s32 $0xE510, s21;
	s31 =	sadd.s32 $0x20, s22  }
0xc8: {  	[hbm4b:s31+s3] =	stream.linear.scatter [tilespmem:s30], [sflag:$0x3], $0x80, $0x38;
	[tilespmem:$0x16C00] =	vst v63  }
0xc9: {  	s25 =	sadd.s32 $0xE598, s21;
	s26 =	sadd.s32 $0x30, s22  }
0xca: {  	[hbm4b:s26+s3] =	stream.linear.scatter [tilespmem:s25], [sflag:$0x3], $0x80, $0x38;
	[tilespmem:$0x16C00] =	vst v63  }
0xcb: {  	s28 =	sadd.s32 $0xE620, s21;
	s29 =	sadd.s32 $0x40, s22  }
0xcc: {  	[hbm4b:s29+s3] =	stream.linear.scatter [tilespmem:s28], [sflag:$0x3], $0x80, $0x38;
	[tilespmem:$0x16C00] =	vst v63  }
0xcd: {  	s30 =	sadd.s32 $0xE6A8, s21;
	s31 =	sadd.s32 $0x50, s22  }
0xce: {  	[hbm4b:s31+s3] =	stream.linear.scatter [tilespmem:s30], [sflag:$0x3], $0x80, $0x38;
	[tilespmem:$0x16C00] =	vst v63  }
0xcf: {  	p0 =	seq.s32 s19, $0x31;
	s25 =	sadd.s32 $0xE730, s21;
	s26 =	sadd.s32 $0x60, s22  }
0xd0: {  	[hbm4b:s26+s3] =	stream.linear.scatter [tilespmem:s25], [sflag:$0x3], $0x80, $0x38;
	[tilespmem:$0x16C00] =	vst v63  }
0xd1: {  	s28 =	sadd.s32 $0xE7B8, s21;
	s29 =	sadd.s32 $0x70, s22;
	s21 =	simm.s32 @!p0 $0x3  }
0xd2: {  	[hbm4b:s29+s3] =	stream.linear.scatter [tilespmem:s28], [sflag:$0x3], $0x80, $0x38;
	[tilespmem:$0x16C00] =	vst v63  }
0xd3: {  	_ =	swait.ge @!p0 [sflag:s21], $0x4000  }
0xd4: {  	s22 =	sshll.u32 @!p0 s19, $0x9;
	[sflag:s21] =	ssyncset.done @!p0 $0x0  }
0xd5: {  	[sflag:s21] =	ssyncadd.s32 @!p0 $0xFFFFC000;
	s21 =	sand.u32 @!p0 $0x3FFFFE00, s22  }
0xd6: {  	s23 =	simm.s32 @!p0 $0x6400;
	s22 =	simm.s32 @!p0 $0x100;
	s21 =	sadd.s32 @!p0 $0x200, s21  }
0xd7: {  	[tilespmem:s23], [sflag:$0x1] =	stream.indirect.gather @!p0 [hbm4b:s4+s22], $0x40, s21, s22, $0xb8;
	[tilespmem:$0x16C00] =	vst v63  }
0xd8: {  	_ =	swait.ge [sflag:s14], $0x4000  }
0xd9: {  	[sflag:s14] =	ssyncset.done $0x0  }
0xda: {  	s30 =	simm.s32 $0x0;
	s21 =	simm.s32 $0xA400;
	[sflag:s14] =	ssyncadd.s32 $0xFFFFC000  }
0xdb: {  	v8 =	vmov s30;
	v9 =	vld [tilespmem:s21+$0x0]  }
0xdc: {  	v8 =	vand.u32 $0x7E, v8  }
0xdd: {  	v10 =	vadd.s32 v0, v8;
	_ =	sdelay $0x2  }
0xde: {  	v9 =	vmul.f32 $8.000000000e+00, v9;
	_ =	sdelay $0x1  }
0xdf: {  	[tilespmem:v10+s15+$0x0] =	vst.idx.msk $0xffff, v9  }
0xe0: {  	v9 =	vld [tilespmem:s21+$0x10];
	_ =	sdelay $0x1  }
0xe1: {  	v10 =	vadd.s32 v1, v8;
	_ =	sdelay $0x2  }
0xe2: {  	v9 =	vmul.f32 $8.000000000e+00, v9;
	_ =	sdelay $0x1  }
0xe3: {  	[tilespmem:v10+s15+$0x0] =	vst.idx.msk $0xffff, v9  }
0xe4: {  	v9 =	vld [tilespmem:s21+$0x20];
	_ =	sdelay $0x1  }
0xe5: {  	v10 =	vadd.s32 v2, v8;
	_ =	sdelay $0x2  }
0xe6: {  	v9 =	vmul.f32 $8.000000000e+00, v9;
	_ =	sdelay $0x1  }
0xe7: {  	[tilespmem:v10+s15+$0x0] =	vst.idx.msk $0xffff, v9  }
0xe8: {  	v9 =	vld [tilespmem:s21+$0x30];
	_ =	sdelay $0x1  }
0xe9: {  	v10 =	vadd.s32 v3, v8;
	_ =	sdelay $0x2  }
0xea: {  	v9 =	vmul.f32 $8.000000000e+00, v9;
	_ =	sdelay $0x1  }
0xeb: {  	[tilespmem:v10+s15+$0x0] =	vst.idx.msk $0xffff, v9  }
0xec: {  	v9 =	vld [tilespmem:s21+$0x2000];
	_ =	sdelay $0x1  }
0xed: {  	v10 =	vadd.s32 v4, v8;
	_ =	sdelay $0x2  }
0xee: {  	v9 =	vmul.f32 $8.000000000e+00, v9;
	_ =	sdelay $0x1  }
0xef: {  	[tilespmem:v10+s15+$0x0] =	vst.idx.msk $0xffff, v9  }
0xf0: {  	v9 =	vld [tilespmem:s21+$0x2010];
	_ =	sdelay $0x1  }
0xf1: {  	v10 =	vadd.s32 v5, v8;
	_ =	sdelay $0x2  }
0xf2: {  	v9 =	vmul.f32 $8.000000000e+00, v9;
	_ =	sdelay $0x1  }
0xf3: {  	[tilespmem:v10+s15+$0x0] =	vst.idx.msk $0xffff, v9  }
0xf4: {  	v9 =	vld [tilespmem:s21+$0x2020];
	_ =	sdelay $0x1  }
0xf5: {  	v10 =	vadd.s32 v6, v8;
	_ =	sdelay $0x2  }
0xf6: {  	v9 =	vmul.f32 $8.000000000e+00, v9;
	_ =	sdelay $0x1  }
0xf7: {  	[tilespmem:v10+s15+$0x0] =	vst.idx.msk $0xffff, v9  }
0xf8: {  	v9 =	vld [tilespmem:s21+$0x2030];
	_ =	sdelay $0x1  }
0xf9: {  	v8 =	vadd.s32 v7, v8;
	_ =	sdelay $0x2  }
0xfa: {  	v9 =	vmul.f32 $8.000000000e+00, v9;
	_ =	sdelay $0x1  }
0xfb: {  	s31 =	simm.s32 $0x1;
	[tilespmem:v8+s15+$0x0] =	vst.idx.msk $0xffff, v9  }
0xfc: {  	v8 =	vmov s31;
	v9 =	vld [tilespmem:s21+$0x40]  }
0xfd: {  	v8 =	vand.u32 $0x7F, v8  }
0xfe: {  	v10 =	vadd.s32 v0, v8;
	_ =	sdelay $0x2  }
0xff: {  	v9 =	vmul.f32 $8.000000000e+00, v9;
	_ =	sdelay $0x1  }
0x100: {  	[tilespmem:v10+s15+$0x0] =	vst.idx.msk $0xffff, v9  }
0x101: {  	v9 =	vld [tilespmem:s21+$0x50];
	_ =	sdelay $0x1  }
0x102: {  	v10 =	vadd.s32 v1, v8;
	_ =	sdelay $0x2  }
0x103: {  	v9 =	vmul.f32 $8.000000000e+00, v9;
	_ =	sdelay $0x1  }
0x104: {  	[tilespmem:v10+s15+$0x0] =	vst.idx.msk $0xffff, v9  }
0x105: {  	v9 =	vld [tilespmem:s21+$0x60];
	_ =	sdelay $0x1  }
0x106: {  	v10 =	vadd.s32 v2, v8;
	_ =	sdelay $0x2  }
0x107: {  	v9 =	vmul.f32 $8.000000000e+00, v9;
	_ =	sdelay $0x1  }
0x108: {  	[tilespmem:v10+s15+$0x0] =	vst.idx.msk $0xffff, v9  }
0x109: {  	v9 =	vld [tilespmem:s21+$0x70];
	_ =	sdelay $0x1  }
0x10a: {  	v10 =	vadd.s32 v3, v8;
	_ =	sdelay $0x2  }
0x10b: {  	v9 =	vmul.f32 $8.000000000e+00, v9;
	_ =	sdelay $0x1  }
0x10c: {  	[tilespmem:v10+s15+$0x0] =	vst.idx.msk $0xffff, v9  }
0x10d: {  	v9 =	vld [tilespmem:s21+$0x2040];
	_ =	sdelay $0x1  }
0x10e: {  	v10 =	vadd.s32 v4, v8;
	_ =	sdelay $0x2  }
0x10f: {  	v9 =	vmul.f32 $8.000000000e+00, v9;
	_ =	sdelay $0x1  }
0x110: {  	[tilespmem:v10+s15+$0x0] =	vst.idx.msk $0xffff, v9  }
0x111: {  	v9 =	vld [tilespmem:s21+$0x2050];
	_ =	sdelay $0x1  }
0x112: {  	v10 =	vadd.s32 v5, v8;
	_ =	sdelay $0x2  }
0x113: {  	v9 =	vmul.f32 $8.000000000e+00, v9;
	_ =	sdelay $0x1  }
0x114: {  	[tilespmem:v10+s15+$0x0] =	vst.idx.msk $0xffff, v9  }
0x115: {  	v9 =	vld [tilespmem:s21+$0x2060];
	_ =	sdelay $0x1  }
0x116: {  	v10 =	vadd.s32 v6, v8;
	_ =	sdelay $0x2  }
0x117: {  	v9 =	vmul.f32 $8.000000000e+00, v9;
	_ =	sdelay $0x1  }
0x118: {  	[tilespmem:v10+s15+$0x0] =	vst.idx.msk $0xffff, v9  }
0x119: {  	v9 =	vld [tilespmem:s21+$0x2070];
	_ =	sdelay $0x1  }
0x11a: {  	v8 =	vadd.s32 v7, v8;
	_ =	sdelay $0x2  }
0x11b: {  	s22 =	simm.s32 $0x2;
	v9 =	vmul.f32 $8.000000000e+00, v9  }
.LBB2_7:
0x11c: {  	p0 =	slt.u32 s22, $0x7E  }
0x11d: {  	s21 =	sadd.s32 $0x80, s21;
	s23 =	smov.u32 s22;
	s22 =	sadd.s32 $0x2, s22;
	[tilespmem:v8+s15+$0x0] =	vst.idx.msk $0xffff, v9  }
0x11e: {  	v8 =	vmov s23;
	v9 =	vld [tilespmem:s21+$0x0]  }
0x11f: {  	v8 =	vand.u32 $0x7E, v8  }
0x120: {  	v10 =	vadd.s32 v0, v8;
	_ =	sdelay $0x2  }
0x121: {  	v9 =	vmul.f32 $8.000000000e+00, v9;
	_ =	sdelay $0x1  }
0x122: {  	[tilespmem:v10+s15+$0x0] =	vst.idx.msk $0xffff, v9  }
0x123: {  	v9 =	vld [tilespmem:s21+$0x10];
	_ =	sdelay $0x1  }
0x124: {  	v10 =	vadd.s32 v1, v8;
	_ =	sdelay $0x2  }
0x125: {  	v9 =	vmul.f32 $8.000000000e+00, v9;
	_ =	sdelay $0x1  }
0x126: {  	[tilespmem:v10+s15+$0x0] =	vst.idx.msk $0xffff, v9  }
0x127: {  	v9 =	vld [tilespmem:s21+$0x20];
	_ =	sdelay $0x1  }
0x128: {  	v10 =	vadd.s32 v2, v8;
	_ =	sdelay $0x2  }
0x129: {  	v9 =	vmul.f32 $8.000000000e+00, v9;
	_ =	sdelay $0x1  }
0x12a: {  	[tilespmem:v10+s15+$0x0] =	vst.idx.msk $0xffff, v9  }
0x12b: {  	v9 =	vld [tilespmem:s21+$0x30];
	_ =	sdelay $0x1  }
0x12c: {  	v10 =	vadd.s32 v3, v8;
	_ =	sdelay $0x2  }
0x12d: {  	v9 =	vmul.f32 $8.000000000e+00, v9;
	_ =	sdelay $0x1  }
0x12e: {  	[tilespmem:v10+s15+$0x0] =	vst.idx.msk $0xffff, v9  }
0x12f: {  	v9 =	vld [tilespmem:s21+$0x2000];
	_ =	sdelay $0x1  }
0x130: {  	v10 =	vadd.s32 v4, v8;
	_ =	sdelay $0x2  }
0x131: {  	v9 =	vmul.f32 $8.000000000e+00, v9;
	_ =	sdelay $0x1  }
0x132: {  	[tilespmem:v10+s15+$0x0] =	vst.idx.msk $0xffff, v9  }
0x133: {  	v9 =	vld [tilespmem:s21+$0x2010];
	_ =	sdelay $0x1  }
0x134: {  	v10 =	vadd.s32 v5, v8;
	_ =	sdelay $0x2  }
0x135: {  	v9 =	vmul.f32 $8.000000000e+00, v9;
	_ =	sdelay $0x1  }
0x136: {  	[tilespmem:v10+s15+$0x0] =	vst.idx.msk $0xffff, v9  }
0x137: {  	v9 =	vld [tilespmem:s21+$0x2020];
	_ =	sdelay $0x1  }
0x138: {  	v10 =	vadd.s32 v6, v8;
	_ =	sdelay $0x2  }
0x139: {  	v9 =	vmul.f32 $8.000000000e+00, v9;
	_ =	sdelay $0x1  }
0x13a: {  	[tilespmem:v10+s15+$0x0] =	vst.idx.msk $0xffff, v9  }
0x13b: {  	v9 =	vld [tilespmem:s21+$0x2030];
	_ =	sdelay $0x1  }
0x13c: {  	v8 =	vadd.s32 v7, v8;
	_ =	sdelay $0x2  }
0x13d: {  	v9 =	vmul.f32 $8.000000000e+00, v9;
	_ =	sdelay $0x1  }
0x13e: {  	s23 =	sadd.s32 $0x1, s23;
	[tilespmem:v8+s15+$0x0] =	vst.idx.msk $0xffff, v9  }
0x13f: {  	v8 =	vmov s23;
	v9 =	vld [tilespmem:s21+$0x40]  }
0x140: {  	v8 =	vand.u32 $0x7F, v8  }
0x141: {  	v10 =	vadd.s32 v0, v8;
	_ =	sdelay $0x2  }
0x142: {  	v9 =	vmul.f32 $8.000000000e+00, v9;
	_ =	sdelay $0x1  }
0x143: {  	[tilespmem:v10+s15+$0x0] =	vst.idx.msk $0xffff, v9  }
0x144: {  	v9 =	vld [tilespmem:s21+$0x50];
	_ =	sdelay $0x1  }
0x145: {  	v10 =	vadd.s32 v1, v8;
	_ =	sdelay $0x2  }
0x146: {  	v9 =	vmul.f32 $8.000000000e+00, v9;
	_ =	sdelay $0x1  }
0x147: {  	[tilespmem:v10+s15+$0x0] =	vst.idx.msk $0xffff, v9  }
0x148: {  	v9 =	vld [tilespmem:s21+$0x60];
	_ =	sdelay $0x1  }
0x149: {  	v10 =	vadd.s32 v2, v8;
	_ =	sdelay $0x2  }
0x14a: {  	v9 =	vmul.f32 $8.000000000e+00, v9;
	_ =	sdelay $0x1  }
0x14b: {  	[tilespmem:v10+s15+$0x0] =	vst.idx.msk $0xffff, v9  }
0x14c: {  	v9 =	vld [tilespmem:s21+$0x70];
	_ =	sdelay $0x1  }
0x14d: {  	v10 =	vadd.s32 v3, v8;
	_ =	sdelay $0x2  }
0x14e: {  	v9 =	vmul.f32 $8.000000000e+00, v9;
	_ =	sdelay $0x1  }
0x14f: {  	[tilespmem:v10+s15+$0x0] =	vst.idx.msk $0xffff, v9  }
0x150: {  	v9 =	vld [tilespmem:s21+$0x2040];
	_ =	sdelay $0x1  }
0x151: {  	v10 =	vadd.s32 v4, v8;
	_ =	sdelay $0x2  }
0x152: {  	v9 =	vmul.f32 $8.000000000e+00, v9;
	_ =	sdelay $0x1  }
0x153: {  	[tilespmem:v10+s15+$0x0] =	vst.idx.msk $0xffff, v9  }
0x154: {  	v9 =	vld [tilespmem:s21+$0x2050];
	_ =	sdelay $0x1  }
0x155: {  	v10 =	vadd.s32 v5, v8;
	_ =	sdelay $0x2  }
0x156: {  	v9 =	vmul.f32 $8.000000000e+00, v9;
	_ =	sdelay $0x1  }
0x157: {  	[tilespmem:v10+s15+$0x0] =	vst.idx.msk $0xffff, v9  }
0x158: {  	v9 =	vld [tilespmem:s21+$0x2060];
	_ =	sdelay $0x1  }
0x159: {  	v10 =	vadd.s32 v6, v8;
	_ =	sdelay $0x2  }
0x15a: {  	v9 =	vmul.f32 $8.000000000e+00, v9;
	_ =	sdelay $0x1  }
0x15b: {  	[tilespmem:v10+s15+$0x0] =	vst.idx.msk $0xffff, v9  }
0x15c: {  	v9 =	vld [tilespmem:s21+$0x2070]  }
.Ltmp2:
0x15d: {  	(pc) =	sbr.rel @p0 .LBB2_7-.Ltmp2, $2  }
0x15e: {  	v8 =	vadd.s32 v7, v8;
	_ =	sdelay $0x2  }
0x15f: {  	v9 =	vmul.f32 $8.000000000e+00, v9  }
0x160: {  	_ = 	snop  }
0x161: {  	s20 =	sshll.u32 s20, $0x13  }
0x162: {  	s20 =	sor.u32 s6, s20  }
0x163: {  	s20 =	sshrl.u32 s20, $0x3  }
0x164: {  	s28 =	simm.s32 $0x12800;
	[tilespmem:v8+s15+$0x0] =	vst.idx.msk $0xffff, v9;
	s21 =	sadd.s32 s2, s20  }
0x165: {  	[hbm4b:s21+s3] =	stream.linear.scatter [tilespmem:s28], [sflag:$0x4], $0x80, $0x38;
	[tilespmem:$0x16C00] =	vst v63  }
0x166: {  	s29 =	simm.s32 $0x12888;
	s22 =	sadd.s32 $0x10, s21  }
0x167: {  	[hbm4b:s22+s3] =	stream.linear.scatter [tilespmem:s29], [sflag:$0x4], $0x80, $0x38;
	[tilespmem:$0x16C00] =	vst v63  }
0x168: {  	s30 =	simm.s32 $0x12910;
	s23 =	simm.s32 $0x12998;
	s31 =	sadd.s32 $0x20, s21  }
0x169: {  	[hbm4b:s31+s3] =	stream.linear.scatter [tilespmem:s30], [sflag:$0x4], $0x80, $0x38;
	[tilespmem:$0x16C00] =	vst v63  }
0x16a: {  	s25 =	simm.s32 $0x12A20;
	s20 =	simm.s32 $0x440;
	s24 =	sadd.s32 $0x30, s21  }
0x16b: {  	[hbm4b:s24+s3] =	stream.linear.scatter [tilespmem:s23], [sflag:$0x4], $0x80, $0x38;
	[tilespmem:$0x16C00] =	vst v63  }
0x16c: {  	s26 =	sadd.s32 $0x40, s21;
	s28 =	simm.s32 $0x12AA8;
	s29 =	sadd.s32 $0x50, s21  }
0x16d: {  	[hbm4b:s26+s3] =	stream.linear.scatter [tilespmem:s25], [sflag:$0x4], $0x80, $0x38;
	[tilespmem:$0x16C00] =	vst v63  }
0x16e: {  	s22 =	simm.s32 $0x2200;
	s30 =	simm.s32 $0x12B30;
	s31 =	sadd.s32 $0x60, s21  }
0x16f: {  	[hbm4b:s29+s3] =	stream.linear.scatter [tilespmem:s28], [sflag:$0x4], $0x80, $0x38;
	[tilespmem:$0x16C00] =	vst v63  }
0x170: {  	s23 =	simm.s32 $0x12BB8;
	s24 =	sadd.s32 $0x70, s21;
	s21 =	sadd.s32 $0x1000, s21  }
0x171: {  	[hbm4b:s31+s3] =	stream.linear.scatter [tilespmem:s30], [sflag:$0x4], $0x80, $0x38;
	[tilespmem:$0x16C00] =	vst v63  }
.LBB2_9:
0x172: {  	[hbm4b:s24+s3] =	stream.linear.scatter [tilespmem:s23], [sflag:$0x4], $0x80, $0x38;
	[tilespmem:$0x16C00] =	vst v63  }
0x173: {  	s23 =	smov.u32 s20;
	s20 =	smov.u32 s22  }
0x174: {  	s25 =	sadd.s32 $0x1100, s22;
	s20 =	sshra.s32 s20, $0x2;
	s24 =	sadd.s32 $0x12800, s23  }
0x175: {  	[hbm4b:s21+s3] =	stream.linear.scatter [tilespmem:s24], [sflag:$0x4], $0x80, $0x38;
	[tilespmem:$0x16C00] =	vst v63  }
0x176: {  	p0 =	sne.s32 s22, $0xFF00;
	s22 =	sadd.s32 $0x12888, s23;
	s24 =	sadd.s32 $0x10, s21  }
0x177: {  	[hbm4b:s24+s3] =	stream.linear.scatter [tilespmem:s22], [sflag:$0x4], $0x80, $0x38;
	[tilespmem:$0x16C00] =	vst v63  }
0x178: {  	s22 =	sadd.s32 $0x12910, s23;
	s24 =	sadd.s32 $0x20, s21  }
0x179: {  	[hbm4b:s24+s3] =	stream.linear.scatter [tilespmem:s22], [sflag:$0x4], $0x80, $0x38;
	[tilespmem:$0x16C00] =	vst v63  }
0x17a: {  	s22 =	sadd.s32 $0x12998, s23;
	s24 =	sadd.s32 $0x30, s21  }
0x17b: {  	[hbm4b:s24+s3] =	stream.linear.scatter [tilespmem:s22], [sflag:$0x4], $0x80, $0x38;
	[tilespmem:$0x16C00] =	vst v63  }
0x17c: {  	s22 =	sadd.s32 $0x12A20, s23;
	s24 =	sadd.s32 $0x40, s21  }
0x17d: {  	[hbm4b:s24+s3] =	stream.linear.scatter [tilespmem:s22], [sflag:$0x4], $0x80, $0x38;
	[tilespmem:$0x16C00] =	vst v63  }
.Ltmp3:
0x17e: {  	s22 =	sadd.s32 $0x12AA8, s23;
	s24 =	sadd.s32 $0x50, s21;
	(pc) =	sbr.rel @p0 .LBB2_9-.Ltmp3, $4  }
0x17f: {  	[hbm4b:s24+s3] =	stream.linear.scatter [tilespmem:s22], [sflag:$0x4], $0x80, $0x38;
	[tilespmem:$0x16C00] =	vst v63  }
0x180: {  	s22 =	sadd.s32 $0x12B30, s23;
	s24 =	sadd.s32 $0x60, s21;
	s23 =	sadd.s32 $0x12BB8, s23  }
0x181: {  	[hbm4b:s24+s3] =	stream.linear.scatter [tilespmem:s22], [sflag:$0x4], $0x80, $0x38;
	[tilespmem:$0x16C00] =	vst v63  }
0x182: {  	s24 =	sadd.s32 $0x70, s21;
	s21 =	sadd.s32 $0x1000, s21;
	s22 =	smov.u32 s25  }
0x183: {  	[hbm4b:s24+s3] =	stream.linear.scatter [tilespmem:s23], [sflag:$0x4], $0x80, $0x38;
	[tilespmem:$0x16C00] =	vst v63  }
0x184: {  	s22 =	sadd.s32 $0x12800, s20  }
0x185: {  	[hbm4b:s21+s3] =	stream.linear.scatter [tilespmem:s22], [sflag:$0x4], $0x80, $0x38;
	[tilespmem:$0x16C00] =	vst v63  }
0x186: {  	s25 =	sadd.s32 $0x12888, s20;
	s26 =	sadd.s32 $0x10, s21  }
0x187: {  	[hbm4b:s26+s3] =	stream.linear.scatter [tilespmem:s25], [sflag:$0x4], $0x80, $0x38;
	[tilespmem:$0x16C00] =	vst v63  }
0x188: {  	s28 =	sadd.s32 $0x12910, s20;
	s29 =	sadd.s32 $0x20, s21  }
0x189: {  	[hbm4b:s29+s3] =	stream.linear.scatter [tilespmem:s28], [sflag:$0x4], $0x80, $0x38;
	[tilespmem:$0x16C00] =	vst v63  }
0x18a: {  	s30 =	sadd.s32 $0x12998, s20;
	s31 =	sadd.s32 $0x30, s21  }
0x18b: {  	[hbm4b:s31+s3] =	stream.linear.scatter [tilespmem:s30], [sflag:$0x4], $0x80, $0x38;
	[tilespmem:$0x16C00] =	vst v63  }
0x18c: {  	s23 =	sadd.s32 $0x12A20, s20;
	s24 =	sadd.s32 $0x40, s21;
	s19 =	sadd.s32 $0x1, s19  }
0x18d: {  	[hbm4b:s24+s3] =	stream.linear.scatter [tilespmem:s23], [sflag:$0x4], $0x80, $0x38;
	[tilespmem:$0x16C00] =	vst v63  }
0x18e: {  	p0 =	sne.s32 s19, $0x32;
	s25 =	sadd.s32 $0x12AA8, s20;
	s26 =	sadd.s32 $0x50, s21  }
0x18f: {  	[hbm4b:s26+s3] =	stream.linear.scatter [tilespmem:s25], [sflag:$0x4], $0x80, $0x38;
	[tilespmem:$0x16C00] =	vst v63  }
.Ltmp4:
0x190: {  	_ = 	snop;
	(pc) =	sbr.rel @p0 .LBB2_2-.Ltmp4, $4  }
0x191: {  	s28 =	sadd.s32 $0x12B30, s20;
	s29 =	sadd.s32 $0x60, s21  }
0x192: {  	[hbm4b:s29+s3] =	stream.linear.scatter [tilespmem:s28], [sflag:$0x4], $0x80, $0x38;
	[tilespmem:$0x16C00] =	vst v63  }
0x193: {  	s30 =	sadd.s32 $0x12BB8, s20;
	s31 =	sadd.s32 $0x70, s21  }
0x194: {  	[hbm4b:s31+s3] =	stream.linear.scatter [tilespmem:s30], [sflag:$0x4], $0x80, $0x38;
	[tilespmem:$0x16C00] =	vst v63  }
0x195: {  	s18 =	sadd.s32 $0x1, s18  }
0x196: {  	_ =	swait.ge [sflag:s16], $0x4000;
	p0 =	sne.s32 s18, s7  }
.Ltmp5:
0x197: {  	[sflag:s16] =	ssyncset.done $0x0;
	(pc) =	sbr.rel @p0 .LBB2_1-.Ltmp5, $4  }
0x198: {  	[sflag:s16] =	ssyncadd.s32 $0xFFFFC000  }
0x199: {  	_ =	swait.ge [sflag:s17], $0x4000  }
0x19a: {  	[sflag:s17] =	ssyncset.done $0x0  }
0x19b: {  	[sflag:s17] =	ssyncadd.s32 $0xFFFFC000  }
0x19c: {  	_ =	sfence.sel $0x180000  }
0x19d: {  	[bflag:$0x0] =	sbarrier.arrive $0xFFFF  }
0x19e: {  	p0 =	sne.s32 s0, $0x0;
	_ =	strace $0x90000047  }
0x19f: {  	s0 =	sadd.s32 @!p0 $0x100000, s1;
	[bflag:$0x2] =	sbarrier.arrive $0xFFFF  }
0x1a0: {  	[sflag:s0] =	ssyncadd.tile.s32 @!p0 $0x1;
	_ =	shalt  }
.Lfunc_end2:
_tile_overlayer_lowered:
.L_overlay_start_2:
0x1a1: {  	(tag) =	ssettag $0x2  }
0x1a2: {  	s0 =	rddreg [dreg:$0x0];
	s2 =	stileid.u32  }
0x1a3: {  	s1 =	rddreg [dreg:$0x1];
	p0 =	sne.s32 s2, $0x0  }
0x1a4: {  	s3 =	rddreg [dreg:$0x2];
	[bflag:$0x3] =	sbarrier.arrive $0xFFFF;
	s2 =	simm.s32 @!p0 $0x1C05  }
0x1a5: {  	[timem:s3], [sflag:s2] =	dma.local @!p0 [hbm:s0], s1  }
0x1a6: {  	s0 =	simm.s32 @!p0 $0x5  }
0x1a7: {  	_ =	swait.ge @!p0 [sflag:s0], s1  }
0x1a8: {  	s1 =	ssub.s32 @!p0 $0x0, s1;
	[sflag:s0] =	ssyncset.done @!p0 $0x0  }
0x1a9: {  	[sflag:s0] =	ssyncadd.s32 @!p0 s1  }
0x1aa: {  	[bflag:$0x3] =	sbarrier.arrive $0xFFFF  }
0x1ab: {  	_ =	shalt  }

</sc_bundles>
